<compile_context>
chip_gen: v7x
topology: tpu7x:2x2x1
jax: 0.10.2.dev20260603
libtpu: 0.0.44.dev20260713+nightly
codegen_flags: <defaults>
</compile_context>

<pallas_src>
import functools

import jax
import jax.numpy as jnp
from jax import lax
from jax.experimental import pallas as pl
from jax.experimental.pallas import tpu as pltpu
from jax.experimental.pallas import tpu_sc as plsc

N = 10000
E = 320000
D = 128
V = 128

NP = 10240
CHUNK = 128
NCHUNKS = 2560
EP = NCHUNKS * CHUNK
NC, NS = 2, 16
NW = NC * NS
CPW = NCHUNKS // NW
CPT = NCHUNKS // NS
RPT = NP // NS
CELL = NP * V // NS
ZB = 4096
SCHUNK = 64
SCPW = EP // SCHUNK // NW

_mesh = plsc.VectorSubcoreMesh(core_axis_name="c", subcore_axis_name="s")
_f32 = jnp.float32


@functools.partial(
    pl.kernel,
    out_type=(jax.ShapeDtypeStruct((NP,), _f32),
              jax.ShapeDtypeStruct((NP,), _f32)),
    mesh=_mesh,
    compiler_params=pltpu.CompilerParams(use_tc_tiling_on_sc=False, needs_layout_passes=False),
    scratch_types=[
        pltpu.VMEM((CPT, CHUNK), jnp.int32),
        pltpu.VMEM((CHUNK,), _f32),
        pltpu.VMEM((RPT,), _f32),
        pltpu.VMEM_SHARED((NP,), _f32),
        pltpu.SemaphoreType.DMA,
    ],
)
def _degree_kernel(src_hbm, dst_hbm, dout_hbm, din_hbm, idxblk, ones, zb,
                   hist, sem):
    cid = lax.axis_index("c")
    sid = lax.axis_index("s")

    def fill_z(i, _):
        zb[pl.ds(i * 16, 16)] = jnp.zeros((16,), _f32)
        return 0

    lax.fori_loop(0, RPT // 16, fill_z, 0)

    def fill_o(i, _):
        ones[pl.ds(i * 16, 16)] = jnp.ones((16,), _f32)
        return 0

    lax.fori_loop(0, CHUNK // 16, fill_o, 0)
    pltpu.sync_copy(zb, hist.at[pl.ds(sid * RPT, RPT)])

    @pl.when(cid == 0)
    def _():
        pltpu.sync_copy(src_hbm.at[pl.ds(sid * CPT, CPT)], idxblk)

    @pl.when(cid == 1)
    def _():
        pltpu.sync_copy(dst_hbm.at[pl.ds(sid * CPT, CPT)], idxblk)

    plsc.subcore_barrier()

    def fire(j, _):
        pltpu.async_copy(ones, hist.at[idxblk.at[j]], sem, add=True)
        return 0

    lax.fori_loop(0, CPT, fire, 0)

    def drain(j, _):
        pltpu.make_async_copy(ones, hist.at[idxblk.at[j]], sem).wait()
        return 0

    lax.fori_loop(0, CPT, drain, 0)
    plsc.subcore_barrier()

    @pl.when(cid == 0)
    def _():
        pltpu.sync_copy(hist.at[pl.ds(sid * RPT, RPT)],
                        dout_hbm.at[pl.ds(sid * RPT, RPT)])

    @pl.when(cid == 1)
    def _():
        pltpu.sync_copy(hist.at[pl.ds(sid * RPT, RPT)],
                        din_hbm.at[pl.ds(sid * RPT, RPT)])


@functools.partial(
    pl.kernel,
    out_type=jax.ShapeDtypeStruct((NC, NP * V), _f32),
    mesh=_mesh,
    compiler_params=pltpu.CompilerParams(use_tc_tiling_on_sc=False, needs_layout_passes=False),
    scratch_types=[
        pltpu.VMEM((CPW, CHUNK), jnp.int32),
        pltpu.VMEM((CPW, CHUNK), jnp.int32),
        pltpu.VMEM((NP,), jnp.int32),
        pltpu.VMEM((NP,), _f32),
        pltpu.VMEM((CHUNK,), jnp.int32),
        pltpu.VMEM((CHUNK,), _f32),
        pltpu.VMEM((CHUNK,), jnp.int32),
        pltpu.VMEM((CHUNK,), _f32),
        pltpu.VMEM((ZB,), _f32),
        pltpu.VMEM_SHARED((NP * V,), _f32),
        pltpu.SemaphoreType.DMA,
    ],
)
def _hist_kernel(src_hbm, dst_hbm, nf_hbm, no_hbm, cout_hbm,
                 sidx, didx, nf_ts, no_ts, fidx0, fval0, fidx1, fval1, zb,
                 csh, sem):
    cid = lax.axis_index("c")
    sid = lax.axis_index("s")

    def fill_z(i, _):
        zb[pl.ds(i * 16, 16)] = jnp.zeros((16,), _f32)
        return 0

    lax.fori_loop(0, ZB // 16, fill_z, 0)

    def zcopy(i, _):
        pltpu.sync_copy(zb, csh.at[pl.ds(sid * CELL + i * ZB, ZB)])
        return 0

    lax.fori_loop(0, CELL // ZB, zcopy, 0)
    pltpu.sync_copy(nf_hbm, nf_ts)
    pltpu.sync_copy(no_hbm, no_ts)
    base = (cid * NS + sid) * CPW
    pltpu.sync_copy(src_hbm.at[pl.ds(base, CPW)], sidx)
    pltpu.sync_copy(dst_hbm.at[pl.ds(base, CPW)], didx)
    plsc.subcore_barrier()

    def compute(j, fidx, fval):
        for i in range(CHUNK // 16):
            s16 = sidx[j, pl.ds(i * 16, 16)]
            d16 = didx[j, pl.ds(i * 16, 16)]
            v16 = plsc.load_gather(nf_ts, [s16])
            w16 = plsc.load_gather(no_ts, [s16])
            fidx[pl.ds(i * 16, 16)] = d16 * V + v16
            fval[pl.ds(i * 16, 16)] = w16

    def sc_start(fidx, fval):
        pltpu.async_copy(fval, csh.at[fidx], sem, add=True)

    def sc_wait(fidx, fval):
        pltpu.make_async_copy(fval, csh.at[fidx], sem).wait()

    compute(0, fidx0, fval0)

    def chunk_body(k, _):
        j = 2 * k
        sc_start(fidx0, fval0)
        compute(j + 1, fidx1, fval1)
        sc_wait(fidx0, fval0)
        sc_start(fidx1, fval1)

        @pl.when(j + 2 < CPW)
        def _():
            compute(j + 2, fidx0, fval0)

        sc_wait(fidx1, fval1)
        return 0

    lax.fori_loop(0, CPW // 2, chunk_body, 0)
    plsc.subcore_barrier()
    pltpu.sync_copy(csh.at[pl.ds(sid * CELL, CELL)],
                    cout_hbm.at[cid, pl.ds(sid * CELL, CELL)])


CPW0 = 100
CPW1 = 60
NCHUNKS_PAD = NS * CPW0 + NS * CPW1 + (CPW0 - CPW1)


@functools.partial(
    pl.kernel,
    out_type=jax.ShapeDtypeStruct((NC, NP, D), _f32),
    mesh=_mesh,
    compiler_params=pltpu.CompilerParams(use_tc_tiling_on_sc=False, needs_layout_passes=False),
    scratch_types=[
        pltpu.VMEM((CPW0, CHUNK), jnp.int32),
        pltpu.VMEM((CPW0, CHUNK), jnp.int32),
        pltpu.VMEM((CHUNK, D), _f32),
        pltpu.VMEM_SHARED((NP, D), _f32),
        pltpu.SemaphoreType.DMA,
    ],
)
def _spmm_kernel(src_hbm, dst_hbm, x_hbm, agg_out,
                 sidx, didx, rows, aggsh, sem):
    cid = lax.axis_index("c")
    sid = lax.axis_index("s")

    def fill_z(r, _):
        for i in range(D // 16):
            rows[r, pl.ds(i * 16, 16)] = jnp.zeros((16,), _f32)
        return 0

    lax.fori_loop(0, CHUNK, fill_z, 0)

    def zcopy(i, _):
        pltpu.sync_copy(rows, aggsh.at[pl.ds(sid * RPT + i * CHUNK, CHUNK)])
        return 0

    lax.fori_loop(0, RPT // CHUNK, zcopy, 0)
    cnt = jnp.where(cid == 0, CPW0, CPW1)
    base = jnp.where(cid == 0, sid * CPW0, NS * CPW0 + sid * CPW1)
    pltpu.sync_copy(src_hbm.at[pl.ds(base, CPW0)], sidx)
    pltpu.sync_copy(dst_hbm.at[pl.ds(base, CPW0)], didx)
    plsc.subcore_barrier()

    def body(j, _):
        pltpu.async_copy(x_hbm.at[sidx.at[j]], rows, sem).wait()
        pltpu.sync_copy(rows, aggsh.at[didx.at[j]], add=True)
        return 0

    lax.fori_loop(0, cnt, body, 0)
    plsc.subcore_barrier()
    pltpu.sync_copy(aggsh.at[pl.ds(sid * RPT, RPT)],
                    agg_out.at[cid, pl.ds(sid * RPT, RPT)])


def _prep_body(dout_ref, din_ref, emb_ref, w1_ref, no_ref, ni_ref, ew1_ref):
    do = dout_ref[...]
    di = din_ref[...]
    no_ref[...] = jnp.where(do > 0, lax.rsqrt(do), 0.0)
    ni_ref[...] = jnp.where(di > 0, lax.rsqrt(di), 0.0)
    ew1_ref[...] = jnp.dot(emb_ref[...], w1_ref[...],
                           preferred_element_type=_f32)


_prep_kernel = pl.pallas_call(
    _prep_body,
    out_shape=(jax.ShapeDtypeStruct((NP // 128, 128), _f32),
               jax.ShapeDtypeStruct((NP // 128, 128), _f32),
               jax.ShapeDtypeStruct((V, D), _f32)),
)

_RB = 1024


def _h1_body(c_ref, ew1_ref, b1_ref, no_ref, ni_ref, h1s_ref):
    cs = c_ref[0] + c_ref[1]
    z = ni_ref[...] * jnp.dot(cs, ew1_ref[...],
                              preferred_element_type=_f32) + b1_ref[...]
    h1s_ref[...] = no_ref[...] * jnp.maximum(z, 0.0)


_h1_kernel = pl.pallas_call(
    _h1_body,
    grid=(NP // _RB,),
    in_specs=[
        pl.BlockSpec((NC, _RB, V), lambda i: (0, i, 0)),
        pl.BlockSpec((V, D), lambda i: (0, 0)),
        pl.BlockSpec((1, D), lambda i: (0, 0)),
        pl.BlockSpec((_RB, 1), lambda i: (i, 0)),
        pl.BlockSpec((_RB, 1), lambda i: (i, 0)),
    ],
    out_specs=pl.BlockSpec((_RB, D), lambda i: (i, 0)),
    out_shape=jax.ShapeDtypeStruct((NP, D), _f32),
)


def _final_body(a_ref, w2_ref, b2_ref, ni_ref, out_ref):
    i = pl.program_id(0)

    @pl.when(i == 0)
    def _():
        out_ref[...] = jnp.zeros((8, D), _f32)

    a = a_ref[0] + a_ref[1]
    h2 = jnp.maximum(
        jnp.dot(ni_ref[...] * a, w2_ref[...],
                preferred_element_type=_f32) + b2_ref[...], 0.0)
    rowid = i * _RB + lax.broadcasted_iota(jnp.int32, (_RB, 1), 0)
    h2 = jnp.where(rowid < N, h2, 0.0)
    out_ref[...] += jnp.sum(h2.reshape(_RB // 8, 8, D), axis=0)

    @pl.when(i == NP // _RB - 1)
    def _():
        out_ref[...] = jnp.broadcast_to(
            jnp.sum(out_ref[...], axis=0, keepdims=True) * (1.0 / N), (8, D))


_final_kernel = pl.pallas_call(
    _final_body,
    grid=(NP // _RB,),
    in_specs=[
        pl.BlockSpec((NC, _RB, D), lambda i: (0, i, 0)),
        pl.BlockSpec((D, D), lambda i: (0, 0)),
        pl.BlockSpec((1, D), lambda i: (0, 0)),
        pl.BlockSpec((_RB, 1), lambda i: (i, 0)),
    ],
    out_specs=pl.BlockSpec((8, D), lambda i: (0, 0)),
    out_shape=jax.ShapeDtypeStruct((8, D), _f32),
)


def kernel(node_feat, edge_index, emb, W1, b1, W2, b2):
    pad = jnp.full((NCHUNKS_PAD * CHUNK - E,), NP - 1, jnp.int32)
    src = jnp.concatenate([edge_index[0].astype(jnp.int32), pad])
    dst = jnp.concatenate([edge_index[1].astype(jnp.int32), pad])
    src = src.reshape(NCHUNKS_PAD, CHUNK)
    dst = dst.reshape(NCHUNKS_PAD, CHUNK)
    nfp = jnp.concatenate(
        [node_feat.astype(jnp.int32), jnp.zeros((NP - N,), jnp.int32)])

    dout, din = _degree_kernel(src, dst)
    no2d, ni2d, ew1 = _prep_kernel(dout.reshape(NP // 128, 128),
                                   din.reshape(NP // 128, 128), emb, W1)
    no_flat = no2d.reshape(NP)
    no_col = no2d.reshape(NP, 1)
    ni_col = ni2d.reshape(NP, 1)

    cpart = _hist_kernel(src, dst, nfp, no_flat)
    h1s = _h1_kernel(cpart.reshape(NC, NP, V), ew1, b1.reshape(1, D),
                     no_col, ni_col)
    agg = _spmm_kernel(src, dst, h1s)
    hsum = _final_kernel(agg, W2, b2.reshape(1, D), ni_col)
    return hsum[0:1, :]

# --- scband reference (transcript-rebuilt; emitter-appended) ---
"""Pipeline reference for scband-gnnrank-task0-35381940584594 (READ-ONLY COPY).

The authoritative reference and input builder live on the scoring server;
editing this copy changes nothing except your own understanding.
"""

import jax, jax.numpy as jnp
import numpy as np

N = 10000
E = 320000
D = 128
V = 128


def setup_inputs(seed: int = 0) -> dict:
    key = jax.random.key(seed)
    ks = jax.random.split(key, 8)
    node_feat = jax.random.randint(ks[0], (N,), 0, V, dtype=jnp.int64 if jax.config.jax_enable_x64 else jnp.int32).astype(jnp.int32)
    edge_index = jax.random.randint(ks[1], (2, E), 0, N).astype(jnp.int32)
    emb = jax.random.normal(ks[2], (V, D), dtype=jnp.float32) * 0.05
    W1 = jax.random.normal(ks[3], (D, D), dtype=jnp.float32) * (1.0 / np.sqrt(D))
    b1 = jnp.zeros((D,), dtype=jnp.float32)
    W2 = jax.random.normal(ks[4], (D, D), dtype=jnp.float32) * (1.0 / np.sqrt(D))
    b2 = jnp.zeros((D,), dtype=jnp.float32)
    return {"node_feat": node_feat, "edge_index": edge_index, "emb": emb,
            "W1": W1, "b1": b1, "W2": W2, "b2": b2}


def _graph_conv(h, src, dst, W, b):
    # DGL GraphConv with norm='both': D_dst^{-1/2} A D_src^{-1/2} h W + b
    ones = jnp.ones((src.shape[0],), dtype=h.dtype)
    deg_out = jax.ops.segment_sum(ones, src, num_segments=N)
    deg_in = jax.ops.segment_sum(ones, dst, num_segments=N)
    norm_out = jnp.where(deg_out > 0, deg_out ** -0.5, 0.0)
    norm_in = jnp.where(deg_in > 0, deg_in ** -0.5, 0.0)
    m = h * norm_out[:, None]
    agg = jax.ops.segment_sum(m[src], dst, num_segments=N)
    agg = agg * norm_in[:, None]
    return agg @ W + b


def reference(node_feat, edge_index, emb, W1, b1, W2, b2):
    src = edge_index[0]
    dst = edge_index[1]
    # node type embedding lookup
    h = jnp.take(emb, node_feat, axis=0)
    # layer 0 (dropout is identity in eval mode) + relu
    h = _graph_conv(h, src, dst, W1, b1)
    h = jax.nn.relu(h)
    # layer 1 (last) + relu
    h = _graph_conv(h, src, dst, W2, b2)
    h = jax.nn.relu(h)
    # dgl.mean_nodes over a single batched graph -> [1, D]
    hg = jnp.mean(h, axis=0, keepdims=True)
    return hg

if __name__ == "__main__":
    import jax
    _d = setup_inputs()
    print(jax.jit(kernel)(*tuple(_d.values())))

</pallas_src>

<mosaic_0001>
#map = affine_map<(d0, d1) -> (0, 0)>
#map1 = affine_map<(d0, d1) -> (0, 0, 0)>
module attributes {stable_mosaic.version = 14 : i64} {
  func.func @_spmm_kernel(%arg0: i32, %arg1: i32, %arg2: memref<2600x128xi32, #tpu.memory_space<hbm>>, %arg3: memref<2600x128xi32, #tpu.memory_space<hbm>>, %arg4: memref<10240x128xf32, #tpu.memory_space<hbm>>, %arg5: memref<2x10240x128xf32, #tpu.memory_space<hbm>>, %arg6: memref<100x128xi32, #tpu.memory_space<vmem>>, %arg7: memref<100x128xi32, #tpu.memory_space<vmem>>, %arg8: memref<128x128xf32, #tpu.memory_space<vmem>>, %arg9: memref<10240x128xf32, #tpu.memory_space<vmem_shared>>, %arg10: memref<!tpu.dma_semaphore, #tpu.memory_space<semaphore_mem>>) attributes {dimension_semantics = [#tpu.dimension_semantics<core_parallel>, #tpu.dimension_semantics<subcore_parallel>], iteration_bounds = array<i64: 2, 16>, scalar_prefetch = 0 : i64, scratch_operands = 5 : i64, tpu.core_type = #tpu.core_type<sc_vector_subcore>, window_params = [{transform_indices = #map}, {transform_indices = #map}, {transform_indices = #map}, {transform_indices = #map1}]} {
    %scan3A = arith.constant 0 : i32
    %scan3A_0 = arith.constant 0 : i32
    %scan3A_1 = arith.constant 128 : i32
    %scan3A_2 = arith.addi %scan3A_0, %scan3A_1 : i32
    %scan3A_3 = arith.constant 1 : i32
    %scan3A_4 = scf.for %scan3A_38 = %scan3A_0 to %scan3A_2 step %scan3A_3 iter_args(%scan3A_39 = %scan3A) -> (i32)  : i32 {
      %broadcast_in_dim3A = arith.constant 0.000000e+00 : f32
      %broadcast_in_dim3A_40 = vector.broadcast %broadcast_in_dim3A : f32 to vector<16xf32>
      %swap3A = arith.index_cast %scan3A_38 : i32 to index
      %swap3A_41 = arith.constant 0 : index
      %swap3A_42 = tpu.vector_load %arg8[%swap3A, %swap3A_41] {strides = array<i32>} : memref<128x128xf32, #tpu.memory_space<vmem>>, vector<16xf32>,
      tpu.vector_store %arg8[%swap3A, %swap3A_41], %broadcast_in_dim3A_40 {strides = array<i32>} : memref<128x128xf32, #tpu.memory_space<vmem>>, vector<16xf32>,
      %broadcast_in_dim3A_43 = arith.constant 0.000000e+00 : f32
      %broadcast_in_dim3A_44 = vector.broadcast %broadcast_in_dim3A_43 : f32 to vector<16xf32>
      %swap3A_45 = arith.index_cast %scan3A_38 : i32 to index
      %swap3A_46 = arith.constant 16 : index
      %swap3A_47 = tpu.vector_load %arg8[%swap3A_45, %swap3A_46] {strides = array<i32>} : memref<128x128xf32, #tpu.memory_space<vmem>>, vector<16xf32>,
      tpu.vector_store %arg8[%swap3A_45, %swap3A_46], %broadcast_in_dim3A_44 {strides = array<i32>} : memref<128x128xf32, #tpu.memory_space<vmem>>, vector<16xf32>,
      %broadcast_in_dim3A_48 = arith.constant 0.000000e+00 : f32
      %broadcast_in_dim3A_49 = vector.broadcast %broadcast_in_dim3A_48 : f32 to vector<16xf32>
      %swap3A_50 = arith.index_cast %scan3A_38 : i32 to index
      %swap3A_51 = arith.constant 32 : index
      %swap3A_52 = tpu.vector_load %arg8[%swap3A_50, %swap3A_51] {strides = array<i32>} : memref<128x128xf32, #tpu.memory_space<vmem>>, vector<16xf32>,
      tpu.vector_store %arg8[%swap3A_50, %swap3A_51], %broadcast_in_dim3A_49 {strides = array<i32>} : memref<128x128xf32, #tpu.memory_space<vmem>>, vector<16xf32>,
      %broadcast_in_dim3A_53 = arith.constant 0.000000e+00 : f32
      %broadcast_in_dim3A_54 = vector.broadcast %broadcast_in_dim3A_53 : f32 to vector<16xf32>
      %swap3A_55 = arith.index_cast %scan3A_38 : i32 to index
      %swap3A_56 = arith.constant 48 : index
      %swap3A_57 = tpu.vector_load %arg8[%swap3A_55, %swap3A_56] {strides = array<i32>} : memref<128x128xf32, #tpu.memory_space<vmem>>, vector<16xf32>,
      tpu.vector_store %arg8[%swap3A_55, %swap3A_56], %broadcast_in_dim3A_54 {strides = array<i32>} : memref<128x128xf32, #tpu.memory_space<vmem>>, vector<16xf32>,
      %broadcast_in_dim3A_58 = arith.constant 0.000000e+00 : f32
      %broadcast_in_dim3A_59 = vector.broadcast %broadcast_in_dim3A_58 : f32 to vector<16xf32>
      %swap3A_60 = arith.index_cast %scan3A_38 : i32 to index
      %swap3A_61 = arith.constant 64 : index
      %swap3A_62 = tpu.vector_load %arg8[%swap3A_60, %swap3A_61] {strides = array<i32>} : memref<128x128xf32, #tpu.memory_space<vmem>>, vector<16xf32>,
      tpu.vector_store %arg8[%swap3A_60, %swap3A_61], %broadcast_in_dim3A_59 {strides = array<i32>} : memref<128x128xf32, #tpu.memory_space<vmem>>, vector<16xf32>,
      %broadcast_in_dim3A_63 = arith.constant 0.000000e+00 : f32
      %broadcast_in_dim3A_64 = vector.broadcast %broadcast_in_dim3A_63 : f32 to vector<16xf32>
      %swap3A_65 = arith.index_cast %scan3A_38 : i32 to index
      %swap3A_66 = arith.constant 80 : index
      %swap3A_67 = tpu.vector_load %arg8[%swap3A_65, %swap3A_66] {strides = array<i32>} : memref<128x128xf32, #tpu.memory_space<vmem>>, vector<16xf32>,
      tpu.vector_store %arg8[%swap3A_65, %swap3A_66], %broadcast_in_dim3A_64 {strides = array<i32>} : memref<128x128xf32, #tpu.memory_space<vmem>>, vector<16xf32>,
      %broadcast_in_dim3A_68 = arith.constant 0.000000e+00 : f32
      %broadcast_in_dim3A_69 = vector.broadcast %broadcast_in_dim3A_68 : f32 to vector<16xf32>
      %swap3A_70 = arith.index_cast %scan3A_38 : i32 to index
      %swap3A_71 = arith.constant 96 : index
      %swap3A_72 = tpu.vector_load %arg8[%swap3A_70, %swap3A_71] {strides = array<i32>} : memref<128x128xf32, #tpu.memory_space<vmem>>, vector<16xf32>,
      tpu.vector_store %arg8[%swap3A_70, %swap3A_71], %broadcast_in_dim3A_69 {strides = array<i32>} : memref<128x128xf32, #tpu.memory_space<vmem>>, vector<16xf32>,
      %broadcast_in_dim3A_73 = arith.constant 0.000000e+00 : f32
      %broadcast_in_dim3A_74 = vector.broadcast %broadcast_in_dim3A_73 : f32 to vector<16xf32>
      %swap3A_75 = arith.index_cast %scan3A_38 : i32 to index
      %swap3A_76 = arith.constant 112 : index
      %swap3A_77 = tpu.vector_load %arg8[%swap3A_75, %swap3A_76] {strides = array<i32>} : memref<128x128xf32, #tpu.memory_space<vmem>>, vector<16xf32>,
      tpu.vector_store %arg8[%swap3A_75, %swap3A_76], %broadcast_in_dim3A_74 {strides = array<i32>} : memref<128x128xf32, #tpu.memory_space<vmem>>, vector<16xf32>,
      %scan3A_78 = arith.constant 0 : i32
      scf.yield %scan3A_78 : i32
    }
    %scan3A_5 = arith.constant 128 : i32
    %scan3A_6 = arith.constant 0 : i32
    %scan3A_7 = arith.constant 0 : i32
    %scan3A_8 = arith.constant 5 : i32
    %scan3A_9 = arith.addi %scan3A_7, %scan3A_8 : i32
    %scan3A_10 = arith.constant 1 : i32
    %scan3A_11 = scf.for %scan3A_38 = %scan3A_7 to %scan3A_9 step %scan3A_10 iter_args(%scan3A_39 = %scan3A_6) -> (i32)  : i32 {
      %mul3A_40 = arith.constant 640 : i32
      %mul3A_41 = arith.muli %arg1, %mul3A_40 : i32
      %mul3A_42 = arith.constant 128 : i32
      %mul3A_43 = arith.muli %scan3A_38, %mul3A_42 : i32
      %add3A_44 = arith.addi %mul3A_41, %mul3A_43 : i32
      "tpu.region"() ({
        %run_scoped3A = tpu.sem_alloc : memref<!tpu.dma_semaphore, #tpu.memory_space<semaphore_mem>>
        %dma_start3A = arith.constant 0 : i32
        %dma_start3A_46 = tpu.memref_slice %arg9[%add3A_44, %dma_start3A] : memref<10240x128xf32, #tpu.memory_space<vmem_shared>> -> memref<128x128xf32, #tpu.memory_space<vmem_shared>>
        %dma_start3A_47 = arith.constant 0 : i32
        %dma_start3A_48 = tpu.memref_slice %arg9[%add3A_44, %dma_start3A_47] : memref<10240x128xf32, #tpu.memory_space<vmem_shared>> -> memref<128x128xf32, #tpu.memory_space<vmem_shared>>
        tpu.enqueue_dma source(%arg8 : memref<128x128xf32, #tpu.memory_space<vmem>>) target(%dma_start3A_48 : memref<128x128xf32, #tpu.memory_space<vmem_shared>>) target_semaphore(%run_scoped3A : memref<!tpu.dma_semaphore, #tpu.memory_space<semaphore_mem>>)
        %dma_wait3A = arith.constant 0 : i32
        %dma_wait3A_49 = tpu.memref_slice %arg9[%add3A_44, %dma_wait3A] : memref<10240x128xf32, #tpu.memory_space<vmem_shared>> -> memref<128x128xf32, #tpu.memory_space<vmem_shared>>
        %dma_wait3A_50 = arith.constant 0 : i32
        %dma_wait3A_51 = tpu.memref_slice %arg9[%add3A_44, %dma_wait3A_50] : memref<10240x128xf32, #tpu.memory_space<vmem_shared>> -> memref<128x128xf32, #tpu.memory_space<vmem_shared>>
        tpu.wait_dma2 semaphore(%run_scoped3A : memref<!tpu.dma_semaphore, #tpu.memory_space<semaphore_mem>>) src(%arg8 : memref<128x128xf32, #tpu.memory_space<vmem>>) dst(%dma_wait3A_51 : memref<128x128xf32, #tpu.memory_space<vmem_shared>>)
        tpu.yield
      }) : () -> ()
      %scan3A_45 = arith.constant 0 : i32
      scf.yield %scan3A_45 : i32
    }
    %scan3A_12 = arith.constant 5 : i32
    %eq3A = arith.constant 0 : i32
    %eq3A_13 = arith.cmpi eq, %arg0, %eq3A : i32
    %jit3A = arith.constant 100 : i32
    %jit3A_14 = arith.constant 60 : i32
    %select_n3A = arith.select %eq3A_13, %jit3A, %jit3A_14 : i32
    %eq3A_15 = arith.constant 0 : i32
    %eq3A_16 = arith.cmpi eq, %arg0, %eq3A_15 : i32
    %mul3A = arith.constant 100 : i32
    %mul3A_17 = arith.muli %arg1, %mul3A : i32
    %mul3A_18 = arith.constant 60 : i32
    %mul3A_19 = arith.muli %arg1, %mul3A_18 : i32
    %add3A = arith.constant 1600 : i32
    %add3A_20 = arith.addi %add3A, %mul3A_19 : i32
    %select_n3A_21 = arith.select %eq3A_16, %mul3A_17, %add3A_20 : i32
    "tpu.region"() ({
      %run_scoped3A = tpu.sem_alloc : memref<!tpu.dma_semaphore, #tpu.memory_space<semaphore_mem>>
      %dma_start3A = arith.constant 0 : i32
      %dma_start3A_38 = tpu.memref_slice %arg2[%select_n3A_21, %dma_start3A] : memref<2600x128xi32, #tpu.memory_space<hbm>> -> memref<100x128xi32, #tpu.memory_space<hbm>>
      %dma_start3A_39 = arith.constant 0 : i32
      %dma_start3A_40 = tpu.memref_slice %arg2[%select_n3A_21, %dma_start3A_39] : memref<2600x128xi32, #tpu.memory_space<hbm>> -> memref<100x128xi32, #tpu.memory_space<hbm>>
      tpu.enqueue_dma source(%dma_start3A_40 : memref<100x128xi32, #tpu.memory_space<hbm>>) target(%arg6 : memref<100x128xi32, #tpu.memory_space<vmem>>) target_semaphore(%run_scoped3A : memref<!tpu.dma_semaphore, #tpu.memory_space<semaphore_mem>>)
      %dma_wait3A = arith.constant 0 : i32
      %dma_wait3A_41 = tpu.memref_slice %arg2[%select_n3A_21, %dma_wait3A] : memref<2600x128xi32, #tpu.memory_space<hbm>> -> memref<100x128xi32, #tpu.memory_space<hbm>>
      %dma_wait3A_42 = arith.constant 0 : i32
      %dma_wait3A_43 = tpu.memref_slice %arg2[%select_n3A_21, %dma_wait3A_42] : memref<2600x128xi32, #tpu.memory_space<hbm>> -> memref<100x128xi32, #tpu.memory_space<hbm>>
      tpu.wait_dma2 semaphore(%run_scoped3A : memref<!tpu.dma_semaphore, #tpu.memory_space<semaphore_mem>>) src(%dma_wait3A_43 : memref<100x128xi32, #tpu.memory_space<hbm>>) dst(%arg6 : memref<100x128xi32, #tpu.memory_space<vmem>>)
      tpu.yield
    }) : () -> ()
    "tpu.region"() ({
      %run_scoped3A = tpu.sem_alloc : memref<!tpu.dma_semaphore, #tpu.memory_space<semaphore_mem>>
      %dma_start3A = arith.constant 0 : i32
      %dma_start3A_38 = tpu.memref_slice %arg3[%select_n3A_21, %dma_start3A] : memref<2600x128xi32, #tpu.memory_space<hbm>> -> memref<100x128xi32, #tpu.memory_space<hbm>>
      %dma_start3A_39 = arith.constant 0 : i32
      %dma_start3A_40 = tpu.memref_slice %arg3[%select_n3A_21, %dma_start3A_39] : memref<2600x128xi32, #tpu.memory_space<hbm>> -> memref<100x128xi32, #tpu.memory_space<hbm>>
      tpu.enqueue_dma source(%dma_start3A_40 : memref<100x128xi32, #tpu.memory_space<hbm>>) target(%arg7 : memref<100x128xi32, #tpu.memory_space<vmem>>) target_semaphore(%run_scoped3A : memref<!tpu.dma_semaphore, #tpu.memory_space<semaphore_mem>>)
      %dma_wait3A = arith.constant 0 : i32
      %dma_wait3A_41 = tpu.memref_slice %arg3[%select_n3A_21, %dma_wait3A] : memref<2600x128xi32, #tpu.memory_space<hbm>> -> memref<100x128xi32, #tpu.memory_space<hbm>>
      %dma_wait3A_42 = arith.constant 0 : i32
      %dma_wait3A_43 = tpu.memref_slice %arg3[%select_n3A_21, %dma_wait3A_42] : memref<2600x128xi32, #tpu.memory_space<hbm>> -> memref<100x128xi32, #tpu.memory_space<hbm>>
      tpu.wait_dma2 semaphore(%run_scoped3A : memref<!tpu.dma_semaphore, #tpu.memory_space<semaphore_mem>>) src(%dma_wait3A_43 : memref<100x128xi32, #tpu.memory_space<hbm>>) dst(%arg7 : memref<100x128xi32, #tpu.memory_space<vmem>>)
      tpu.yield
    }) : () -> ()
    %barrier3A = arith.constant 0 : index
    tpu.barrier barrier_id(%barrier3A)
    %while3A = arith.constant 0 : i32
    %while3A_22 = arith.constant 0 : i32
    %while3A_23 = arith.subi %select_n3A, %while3A : i32
    %while3A_24 = arith.addi %while3A, %while3A_23 : i32
    %while3A_25 = arith.constant 1 : i32
    %while3A_26 = arith.divsi %while3A_23, %while3A_25 : i32
    %while3A_27 = arith.muli %while3A_26, %while3A_25 : i32
    %while3A_28 = arith.addi %while3A, %while3A_27 : i32
    %while3A_29 = arith.constant 1 : i32
    %while3A_30 = scf.for %while3A_38 = %while3A to %while3A_28 step %while3A_29 iter_args(%while3A_39 = %while3A_22) -> (i32)  : i32 {
      %dma_start3A = arith.constant 0 : i32
      %dma_start3A_40 = tpu.memref_slice %arg6[%while3A_38, %dma_start3A] : memref<100x128xi32, #tpu.memory_space<vmem>> -> memref<1x128xi32, #tpu.memory_space<vmem>>
      %dma_start3A_41 = tpu.memref_squeeze %dma_start3A_40 : memref<1x128xi32, #tpu.memory_space<vmem>> -> memref<128xi32, #tpu.memory_space<vmem>>
      %dma_start3A_42 = arith.constant 0 : i32
      %dma_start3A_43 = arith.constant 0 : i32
      %dma_start3A_44 = tpu.memref_slice %arg4[%dma_start3A_42, %dma_start3A_43] : memref<10240x128xf32, #tpu.memory_space<hbm>> -> memref<10240x128xf32, #tpu.memory_space<hbm>>
      tpu.enqueue_indirect_dma source(%dma_start3A_44 : memref<10240x128xf32, #tpu.memory_space<hbm>>) target(%arg8 : memref<128x128xf32, #tpu.memory_space<vmem>>) offsets(%dma_start3A_41 : memref<128xi32, #tpu.memory_space<vmem>>) semaphore(%arg10 : memref<!tpu.dma_semaphore, #tpu.memory_space<semaphore_mem>>)
      %dma_wait3A = arith.constant 0 : i32
      %dma_wait3A_45 = tpu.memref_slice %arg6[%while3A_38, %dma_wait3A] : memref<100x128xi32, #tpu.memory_space<vmem>> -> memref<1x128xi32, #tpu.memory_space<vmem>>
      %dma_wait3A_46 = tpu.memref_squeeze %dma_wait3A_45 : memref<1x128xi32, #tpu.memory_space<vmem>> -> memref<128xi32, #tpu.memory_space<vmem>>
      %dma_wait3A_47 = arith.constant 0 : i32
      %dma_wait3A_48 = arith.constant 0 : i32
      %dma_wait3A_49 = tpu.memref_slice %arg4[%dma_wait3A_47, %dma_wait3A_48] : memref<10240x128xf32, #tpu.memory_space<hbm>> -> memref<10240x128xf32, #tpu.memory_space<hbm>>
      tpu.wait_indirect_dma semaphore(%arg10 : memref<!tpu.dma_semaphore, #tpu.memory_space<semaphore_mem>>) src(%dma_wait3A_49 : memref<10240x128xf32, #tpu.memory_space<hbm>>) dst(%arg8 : memref<128x128xf32, #tpu.memory_space<vmem>>)
      "tpu.region"() ({
        %run_scoped3A = tpu.sem_alloc : memref<!tpu.dma_semaphore, #tpu.memory_space<semaphore_mem>>
        %dma_start3A_51 = arith.constant 0 : i32
        %dma_start3A_52 = tpu.memref_slice %arg7[%while3A_38, %dma_start3A_51] : memref<100x128xi32, #tpu.memory_space<vmem>> -> memref<1x128xi32, #tpu.memory_space<vmem>>
        %dma_start3A_53 = tpu.memref_squeeze %dma_start3A_52 : memref<1x128xi32, #tpu.memory_space<vmem>> -> memref<128xi32, #tpu.memory_space<vmem>>
        %dma_start3A_54 = arith.constant 0 : i32
        %dma_start3A_55 = arith.constant 0 : i32
        %dma_start3A_56 = tpu.memref_slice %arg9[%dma_start3A_54, %dma_start3A_55] : memref<10240x128xf32, #tpu.memory_space<vmem_shared>> -> memref<10240x128xf32, #tpu.memory_space<vmem_shared>>
        tpu.enqueue_indirect_dma source(%arg8 : memref<128x128xf32, #tpu.memory_space<vmem>>) target(%dma_start3A_56 : memref<10240x128xf32, #tpu.memory_space<vmem_shared>>) offsets(%dma_start3A_53 : memref<128xi32, #tpu.memory_space<vmem>>) semaphore(%run_scoped3A : memref<!tpu.dma_semaphore, #tpu.memory_space<semaphore_mem>>) {add = true}
        %dma_wait3A_57 = arith.constant 0 : i32
        %dma_wait3A_58 = tpu.memref_slice %arg7[%while3A_38, %dma_wait3A_57] : memref<100x128xi32, #tpu.memory_space<vmem>> -> memref<1x128xi32, #tpu.memory_space<vmem>>
        %dma_wait3A_59 = tpu.memref_squeeze %dma_wait3A_58 : memref<1x128xi32, #tpu.memory_space<vmem>> -> memref<128xi32, #tpu.memory_space<vmem>>
        %dma_wait3A_60 = arith.constant 0 : i32
        %dma_wait3A_61 = arith.constant 0 : i32
        %dma_wait3A_62 = tpu.memref_slice %arg9[%dma_wait3A_60, %dma_wait3A_61] : memref<10240x128xf32, #tpu.memory_space<vmem_shared>> -> memref<10240x128xf32, #tpu.memory_space<vmem_shared>>
        tpu.wait_indirect_dma semaphore(%run_scoped3A : memref<!tpu.dma_semaphore, #tpu.memory_space<semaphore_mem>>) src(%arg8 : memref<128x128xf32, #tpu.memory_space<vmem>>) dst(%dma_wait3A_62 : memref<10240x128xf32, #tpu.memory_space<vmem_shared>>)
        tpu.yield
      }) : () -> ()
      %while3A_50 = arith.constant 0 : i32
      scf.yield %while3A_50 : i32
    }
    %while3A_31 = arith.constant 1 : i32
    %while3A_32 = scf.for %while3A_38 = %while3A_28 to %while3A_24 step %while3A_31 iter_args(%while3A_39 = %while3A_30) -> (i32)  : i32 {
      %dma_start3A = arith.constant 0 : i32
      %dma_start3A_40 = tpu.memref_slice %arg6[%while3A_38, %dma_start3A] : memref<100x128xi32, #tpu.memory_space<vmem>> -> memref<1x128xi32, #tpu.memory_space<vmem>>
      %dma_start3A_41 = tpu.memref_squeeze %dma_start3A_40 : memref<1x128xi32, #tpu.memory_space<vmem>> -> memref<128xi32, #tpu.memory_space<vmem>>
      %dma_start3A_42 = arith.constant 0 : i32
      %dma_start3A_43 = arith.constant 0 : i32
      %dma_start3A_44 = tpu.memref_slice %arg4[%dma_start3A_42, %dma_start3A_43] : memref<10240x128xf32, #tpu.memory_space<hbm>> -> memref<10240x128xf32, #tpu.memory_space<hbm>>
      tpu.enqueue_indirect_dma source(%dma_start3A_44 : memref<10240x128xf32, #tpu.memory_space<hbm>>) target(%arg8 : memref<128x128xf32, #tpu.memory_space<vmem>>) offsets(%dma_start3A_41 : memref<128xi32, #tpu.memory_space<vmem>>) semaphore(%arg10 : memref<!tpu.dma_semaphore, #tpu.memory_space<semaphore_mem>>)
      %dma_wait3A = arith.constant 0 : i32
      %dma_wait3A_45 = tpu.memref_slice %arg6[%while3A_38, %dma_wait3A] : memref<100x128xi32, #tpu.memory_space<vmem>> -> memref<1x128xi32, #tpu.memory_space<vmem>>
      %dma_wait3A_46 = tpu.memref_squeeze %dma_wait3A_45 : memref<1x128xi32, #tpu.memory_space<vmem>> -> memref<128xi32, #tpu.memory_space<vmem>>
      %dma_wait3A_47 = arith.constant 0 : i32
      %dma_wait3A_48 = arith.constant 0 : i32
      %dma_wait3A_49 = tpu.memref_slice %arg4[%dma_wait3A_47, %dma_wait3A_48] : memref<10240x128xf32, #tpu.memory_space<hbm>> -> memref<10240x128xf32, #tpu.memory_space<hbm>>
      tpu.wait_indirect_dma semaphore(%arg10 : memref<!tpu.dma_semaphore, #tpu.memory_space<semaphore_mem>>) src(%dma_wait3A_49 : memref<10240x128xf32, #tpu.memory_space<hbm>>) dst(%arg8 : memref<128x128xf32, #tpu.memory_space<vmem>>)
      "tpu.region"() ({
        %run_scoped3A = tpu.sem_alloc : memref<!tpu.dma_semaphore, #tpu.memory_space<semaphore_mem>>
        %dma_start3A_51 = arith.constant 0 : i32
        %dma_start3A_52 = tpu.memref_slice %arg7[%while3A_38, %dma_start3A_51] : memref<100x128xi32, #tpu.memory_space<vmem>> -> memref<1x128xi32, #tpu.memory_space<vmem>>
        %dma_start3A_53 = tpu.memref_squeeze %dma_start3A_52 : memref<1x128xi32, #tpu.memory_space<vmem>> -> memref<128xi32, #tpu.memory_space<vmem>>
        %dma_start3A_54 = arith.constant 0 : i32
        %dma_start3A_55 = arith.constant 0 : i32
        %dma_start3A_56 = tpu.memref_slice %arg9[%dma_start3A_54, %dma_start3A_55] : memref<10240x128xf32, #tpu.memory_space<vmem_shared>> -> memref<10240x128xf32, #tpu.memory_space<vmem_shared>>
        tpu.enqueue_indirect_dma source(%arg8 : memref<128x128xf32, #tpu.memory_space<vmem>>) target(%dma_start3A_56 : memref<10240x128xf32, #tpu.memory_space<vmem_shared>>) offsets(%dma_start3A_53 : memref<128xi32, #tpu.memory_space<vmem>>) semaphore(%run_scoped3A : memref<!tpu.dma_semaphore, #tpu.memory_space<semaphore_mem>>) {add = true}
        %dma_wait3A_57 = arith.constant 0 : i32
        %dma_wait3A_58 = tpu.memref_slice %arg7[%while3A_38, %dma_wait3A_57] : memref<100x128xi32, #tpu.memory_space<vmem>> -> memref<1x128xi32, #tpu.memory_space<vmem>>
        %dma_wait3A_59 = tpu.memref_squeeze %dma_wait3A_58 : memref<1x128xi32, #tpu.memory_space<vmem>> -> memref<128xi32, #tpu.memory_space<vmem>>
        %dma_wait3A_60 = arith.constant 0 : i32
        %dma_wait3A_61 = arith.constant 0 : i32
        %dma_wait3A_62 = tpu.memref_slice %arg9[%dma_wait3A_60, %dma_wait3A_61] : memref<10240x128xf32, #tpu.memory_space<vmem_shared>> -> memref<10240x128xf32, #tpu.memory_space<vmem_shared>>
        tpu.wait_indirect_dma semaphore(%run_scoped3A : memref<!tpu.dma_semaphore, #tpu.memory_space<semaphore_mem>>) src(%arg8 : memref<128x128xf32, #tpu.memory_space<vmem>>) dst(%dma_wait3A_62 : memref<10240x128xf32, #tpu.memory_space<vmem_shared>>)
        tpu.yield
      }) : () -> ()
      %while3A_50 = arith.constant 0 : i32
      scf.yield %while3A_50 : i32
    }
    %barrier3A_33 = arith.constant 0 : index
    tpu.barrier barrier_id(%barrier3A_33)
    %mul3A_34 = arith.constant 640 : i32
    %mul3A_35 = arith.muli %arg1, %mul3A_34 : i32
    %mul3A_36 = arith.constant 640 : i32
    %mul3A_37 = arith.muli %arg1, %mul3A_36 : i32
    "tpu.region"() ({
      %run_scoped3A = tpu.sem_alloc : memref<!tpu.dma_semaphore, #tpu.memory_space<semaphore_mem>>
      %dma_start3A = arith.constant 0 : i32
      %dma_start3A_38 = tpu.memref_slice %arg5[%arg0, %mul3A_37, %dma_start3A] : memref<2x10240x128xf32, #tpu.memory_space<hbm>> -> memref<1x640x128xf32, #tpu.memory_space<hbm>>
      %dma_start3A_39 = tpu.memref_squeeze %dma_start3A_38 : memref<1x640x128xf32, #tpu.memory_space<hbm>> -> memref<640x128xf32, #tpu.memory_space<hbm>>
      %dma_start3A_40 = arith.constant 0 : i32
      %dma_start3A_41 = tpu.memref_slice %arg9[%mul3A_35, %dma_start3A_40] : memref<10240x128xf32, #tpu.memory_space<vmem_shared>> -> memref<640x128xf32, #tpu.memory_space<vmem_shared>>
      tpu.enqueue_dma source(%dma_start3A_41 : memref<640x128xf32, #tpu.memory_space<vmem_shared>>) target(%dma_start3A_39 : memref<640x128xf32, #tpu.memory_space<hbm>>) target_semaphore(%run_scoped3A : memref<!tpu.dma_semaphore, #tpu.memory_space<semaphore_mem>>)
      %dma_wait3A = arith.constant 0 : i32
      %dma_wait3A_42 = tpu.memref_slice %arg5[%arg0, %mul3A_37, %dma_wait3A] : memref<2x10240x128xf32, #tpu.memory_space<hbm>> -> memref<1x640x128xf32, #tpu.memory_space<hbm>>
      %dma_wait3A_43 = tpu.memref_squeeze %dma_wait3A_42 : memref<1x640x128xf32, #tpu.memory_space<hbm>> -> memref<640x128xf32, #tpu.memory_space<hbm>>
      %dma_wait3A_44 = arith.constant 0 : i32
      %dma_wait3A_45 = tpu.memref_slice %arg9[%mul3A_35, %dma_wait3A_44] : memref<10240x128xf32, #tpu.memory_space<vmem_shared>> -> memref<640x128xf32, #tpu.memory_space<vmem_shared>>
      tpu.wait_dma2 semaphore(%run_scoped3A : memref<!tpu.dma_semaphore, #tpu.memory_space<semaphore_mem>>) src(%dma_wait3A_45 : memref<640x128xf32, #tpu.memory_space<vmem_shared>>) dst(%dma_wait3A_43 : memref<640x128xf32, #tpu.memory_space<hbm>>)
      tpu.yield
    }) : () -> ()
    return
  }
}

#map = affine_map<(d0, d1) -> (0, 0)>
#map1 = affine_map<(d0, d1) -> (0)>
module attributes {stable_mosaic.version = 14 : i64} {
  func.func @_hist_kernel(%arg0: i32, %arg1: i32, %arg2: memref<2600x128xi32, #tpu.memory_space<hbm>>, %arg3: memref<2600x128xi32, #tpu.memory_space<hbm>>, %arg4: memref<10240xi32, #tpu.memory_space<hbm>>, %arg5: memref<10240xf32, #tpu.memory_space<hbm>>, %arg6: memref<2x1310720xf32, #tpu.memory_space<hbm>>, %arg7: memref<80x128xi32, #tpu.memory_space<vmem>>, %arg8: memref<80x128xi32, #tpu.memory_space<vmem>>, %arg9: memref<10240xi32, #tpu.memory_space<vmem>>, %arg10: memref<10240xf32, #tpu.memory_space<vmem>>, %arg11: memref<128xi32, #tpu.memory_space<vmem>>, %arg12: memref<128xf32, #tpu.memory_space<vmem>>, %arg13: memref<128xi32, #tpu.memory_space<vmem>>, %arg14: memref<128xf32, #tpu.memory_space<vmem>>, %arg15: memref<4096xf32, #tpu.memory_space<vmem>>, %arg16: memref<1310720xf32, #tpu.memory_space<vmem_shared>>, %arg17: memref<!tpu.dma_semaphore, #tpu.memory_space<semaphore_mem>>) attributes {dimension_semantics = [#tpu.dimension_semantics<core_parallel>, #tpu.dimension_semantics<subcore_parallel>], iteration_bounds = array<i64: 2, 16>, scalar_prefetch = 0 : i64, scratch_operands = 11 : i64, tpu.core_type = #tpu.core_type<sc_vector_subcore>, window_params = [{transform_indices = #map}, {transform_indices = #map}, {transform_indices = #map1}, {transform_indices = #map1}, {transform_indices = #map}]} {
    %scan3A = arith.constant 0 : i32
    %scan3A_0 = arith.constant 0 : i32
    %scan3A_1 = arith.constant 256 : i32
    %scan3A_2 = arith.addi %scan3A_0, %scan3A_1 : i32
    %scan3A_3 = arith.constant 1 : i32
    %scan3A_4 = scf.for %scan3A_169 = %scan3A_0 to %scan3A_2 step %scan3A_3 iter_args(%scan3A_170 = %scan3A) -> (i32)  : i32 {
      %broadcast_in_dim3A = arith.constant 0.000000e+00 : f32
      %broadcast_in_dim3A_171 = vector.broadcast %broadcast_in_dim3A : f32 to vector<16xf32>
      %mul3A_172 = arith.constant 16 : i32
      %mul3A_173 = arith.muli %scan3A_169, %mul3A_172 : i32
      %swap3A_174 = arith.index_cast %mul3A_173 : i32 to index
      %swap3A_175 = tpu.vector_load %arg15[%swap3A_174] {strides = array<i32>} : memref<4096xf32, #tpu.memory_space<vmem>>, vector<16xf32>,
      tpu.vector_store %arg15[%swap3A_174], %broadcast_in_dim3A_171 {strides = array<i32>} : memref<4096xf32, #tpu.memory_space<vmem>>, vector<16xf32>,
      %scan3A_176 = arith.constant 0 : i32
      scf.yield %scan3A_176 : i32
    }
    %scan3A_5 = arith.constant 256 : i32
    %scan3A_6 = arith.constant 0 : i32
    %scan3A_7 = arith.constant 0 : i32
    %scan3A_8 = arith.constant 20 : i32
    %scan3A_9 = arith.addi %scan3A_7, %scan3A_8 : i32
    %scan3A_10 = arith.constant 1 : i32
    %scan3A_11 = scf.for %scan3A_169 = %scan3A_7 to %scan3A_9 step %scan3A_10 iter_args(%scan3A_170 = %scan3A_6) -> (i32)  : i32 {
      %mul3A_171 = arith.constant 81920 : i32
      %mul3A_172 = arith.muli %arg1, %mul3A_171 : i32
      %mul3A_173 = arith.constant 4096 : i32
      %mul3A_174 = arith.muli %scan3A_169, %mul3A_173 : i32
      %add3A_175 = arith.addi %mul3A_172, %mul3A_174 : i32
      "tpu.region"() ({
        %run_scoped3A = tpu.sem_alloc : memref<!tpu.dma_semaphore, #tpu.memory_space<semaphore_mem>>
        %dma_start3A = tpu.memref_slice %arg16[%add3A_175] : memref<1310720xf32, #tpu.memory_space<vmem_shared>> -> memref<4096xf32, #tpu.memory_space<vmem_shared>>
        %dma_start3A_177 = tpu.memref_slice %arg16[%add3A_175] : memref<1310720xf32, #tpu.memory_space<vmem_shared>> -> memref<4096xf32, #tpu.memory_space<vmem_shared>>
        tpu.enqueue_dma source(%arg15 : memref<4096xf32, #tpu.memory_space<vmem>>) target(%dma_start3A_177 : memref<4096xf32, #tpu.memory_space<vmem_shared>>) target_semaphore(%run_scoped3A : memref<!tpu.dma_semaphore, #tpu.memory_space<semaphore_mem>>)
        %dma_wait3A = tpu.memref_slice %arg16[%add3A_175] : memref<1310720xf32, #tpu.memory_space<vmem_shared>> -> memref<4096xf32, #tpu.memory_space<vmem_shared>>
        %dma_wait3A_178 = tpu.memref_slice %arg16[%add3A_175] : memref<1310720xf32, #tpu.memory_space<vmem_shared>> -> memref<4096xf32, #tpu.memory_space<vmem_shared>>
        tpu.wait_dma2 semaphore(%run_scoped3A : memref<!tpu.dma_semaphore, #tpu.memory_space<semaphore_mem>>) src(%arg15 : memref<4096xf32, #tpu.memory_space<vmem>>) dst(%dma_wait3A_178 : memref<4096xf32, #tpu.memory_space<vmem_shared>>)
        tpu.yield
      }) : () -> ()
      %scan3A_176 = arith.constant 0 : i32
      scf.yield %scan3A_176 : i32
    }
    %scan3A_12 = arith.constant 20 : i32
    "tpu.region"() ({
      %run_scoped3A = tpu.sem_alloc : memref<!tpu.dma_semaphore, #tpu.memory_space<semaphore_mem>>
      tpu.enqueue_dma source(%arg4 : memref<10240xi32, #tpu.memory_space<hbm>>) target(%arg9 : memref<10240xi32, #tpu.memory_space<vmem>>) target_semaphore(%run_scoped3A : memref<!tpu.dma_semaphore, #tpu.memory_space<semaphore_mem>>)
      tpu.wait_dma2 semaphore(%run_scoped3A : memref<!tpu.dma_semaphore, #tpu.memory_space<semaphore_mem>>) src(%arg4 : memref<10240xi32, #tpu.memory_space<hbm>>) dst(%arg9 : memref<10240xi32, #tpu.memory_space<vmem>>)
      tpu.yield
    }) : () -> ()
    "tpu.region"() ({
      %run_scoped3A = tpu.sem_alloc : memref<!tpu.dma_semaphore, #tpu.memory_space<semaphore_mem>>
      tpu.enqueue_dma source(%arg5 : memref<10240xf32, #tpu.memory_space<hbm>>) target(%arg10 : memref<10240xf32, #tpu.memory_space<vmem>>) target_semaphore(%run_scoped3A : memref<!tpu.dma_semaphore, #tpu.memory_space<semaphore_mem>>)
      tpu.wait_dma2 semaphore(%run_scoped3A : memref<!tpu.dma_semaphore, #tpu.memory_space<semaphore_mem>>) src(%arg5 : memref<10240xf32, #tpu.memory_space<hbm>>) dst(%arg10 : memref<10240xf32, #tpu.memory_space<vmem>>)
      tpu.yield
    }) : () -> ()
    %mul3A = arith.constant 16 : i32
    %mul3A_13 = arith.muli %arg0, %mul3A : i32
    %add3A = arith.addi %mul3A_13, %arg1 : i32
    %mul3A_14 = arith.constant 80 : i32
    %mul3A_15 = arith.muli %add3A, %mul3A_14 : i32
    "tpu.region"() ({
      %run_scoped3A = tpu.sem_alloc : memref<!tpu.dma_semaphore, #tpu.memory_space<semaphore_mem>>
      %dma_start3A = arith.constant 0 : i32
      %dma_start3A_169 = tpu.memref_slice %arg2[%mul3A_15, %dma_start3A] : memref<2600x128xi32, #tpu.memory_space<hbm>> -> memref<80x128xi32, #tpu.memory_space<hbm>>
      %dma_start3A_170 = arith.constant 0 : i32
      %dma_start3A_171 = tpu.memref_slice %arg2[%mul3A_15, %dma_start3A_170] : memref<2600x128xi32, #tpu.memory_space<hbm>> -> memref<80x128xi32, #tpu.memory_space<hbm>>
      tpu.enqueue_dma source(%dma_start3A_171 : memref<80x128xi32, #tpu.memory_space<hbm>>) target(%arg7 : memref<80x128xi32, #tpu.memory_space<vmem>>) target_semaphore(%run_scoped3A : memref<!tpu.dma_semaphore, #tpu.memory_space<semaphore_mem>>)
      %dma_wait3A = arith.constant 0 : i32
      %dma_wait3A_172 = tpu.memref_slice %arg2[%mul3A_15, %dma_wait3A] : memref<2600x128xi32, #tpu.memory_space<hbm>> -> memref<80x128xi32, #tpu.memory_space<hbm>>
      %dma_wait3A_173 = arith.constant 0 : i32
      %dma_wait3A_174 = tpu.memref_slice %arg2[%mul3A_15, %dma_wait3A_173] : memref<2600x128xi32, #tpu.memory_space<hbm>> -> memref<80x128xi32, #tpu.memory_space<hbm>>
      tpu.wait_dma2 semaphore(%run_scoped3A : memref<!tpu.dma_semaphore, #tpu.memory_space<semaphore_mem>>) src(%dma_wait3A_174 : memref<80x128xi32, #tpu.memory_space<hbm>>) dst(%arg7 : memref<80x128xi32, #tpu.memory_space<vmem>>)
      tpu.yield
    }) : () -> ()
    "tpu.region"() ({
      %run_scoped3A = tpu.sem_alloc : memref<!tpu.dma_semaphore, #tpu.memory_space<semaphore_mem>>
      %dma_start3A = arith.constant 0 : i32
      %dma_start3A_169 = tpu.memref_slice %arg3[%mul3A_15, %dma_start3A] : memref<2600x128xi32, #tpu.memory_space<hbm>> -> memref<80x128xi32, #tpu.memory_space<hbm>>
      %dma_start3A_170 = arith.constant 0 : i32
      %dma_start3A_171 = tpu.memref_slice %arg3[%mul3A_15, %dma_start3A_170] : memref<2600x128xi32, #tpu.memory_space<hbm>> -> memref<80x128xi32, #tpu.memory_space<hbm>>
      tpu.enqueue_dma source(%dma_start3A_171 : memref<80x128xi32, #tpu.memory_space<hbm>>) target(%arg8 : memref<80x128xi32, #tpu.memory_space<vmem>>) target_semaphore(%run_scoped3A : memref<!tpu.dma_semaphore, #tpu.memory_space<semaphore_mem>>)
      %dma_wait3A = arith.constant 0 : i32
      %dma_wait3A_172 = tpu.memref_slice %arg3[%mul3A_15, %dma_wait3A] : memref<2600x128xi32, #tpu.memory_space<hbm>> -> memref<80x128xi32, #tpu.memory_space<hbm>>
      %dma_wait3A_173 = arith.constant 0 : i32
      %dma_wait3A_174 = tpu.memref_slice %arg3[%mul3A_15, %dma_wait3A_173] : memref<2600x128xi32, #tpu.memory_space<hbm>> -> memref<80x128xi32, #tpu.memory_space<hbm>>
      tpu.wait_dma2 semaphore(%run_scoped3A : memref<!tpu.dma_semaphore, #tpu.memory_space<semaphore_mem>>) src(%dma_wait3A_174 : memref<80x128xi32, #tpu.memory_space<hbm>>) dst(%arg8 : memref<80x128xi32, #tpu.memory_space<vmem>>)
      tpu.yield
    }) : () -> ()
    %barrier3A = arith.constant 0 : index
    tpu.barrier barrier_id(%barrier3A)
    %get3A = arith.constant 0 : i32
    %get3A_16 = arith.index_cast %get3A : i32 to index
    %get3A_17 = arith.constant 0 : index
    %get3A_18 = tpu.vector_load %arg7[%get3A_16, %get3A_17] {strides = array<i32>} : memref<80x128xi32, #tpu.memory_space<vmem>>, vector<16xi32>,
    %get3A_19 = arith.constant 0 : i32
    %get3A_20 = arith.index_cast %get3A_19 : i32 to index
    %get3A_21 = arith.constant 0 : index
    %get3A_22 = tpu.vector_load %arg8[%get3A_20, %get3A_21] {strides = array<i32>} : memref<80x128xi32, #tpu.memory_space<vmem>>, vector<16xi32>,
    %gather3A = tpu.vector_load_idx %arg9[%get3A_18] : memref<10240xi32, #tpu.memory_space<vmem>>[vector<16xi32>], vector<16xi32>,
    %gather3A_23 = tpu.vector_load_idx %arg10[%get3A_18] : memref<10240xf32, #tpu.memory_space<vmem>>[vector<16xi32>], vector<16xf32>,
    %mul3A_24 = arith.constant 128 : i32
    %mul3A_25 = vector.broadcast %mul3A_24 : i32 to vector<16xi32>
    %mul3A_26 = arith.muli %get3A_22, %mul3A_25 : vector<16xi32>
    %add3A_27 = arith.addi %mul3A_26, %gather3A : vector<16xi32>
    %swap3A = arith.constant 0 : index
    %swap3A_28 = tpu.vector_load %arg11[%swap3A] {strides = array<i32>} : memref<128xi32, #tpu.memory_space<vmem>>, vector<16xi32>,
    tpu.vector_store %arg11[%swap3A], %add3A_27 {strides = array<i32>} : memref<128xi32, #tpu.memory_space<vmem>>, vector<16xi32>,
    %swap3A_29 = arith.constant 0 : index
    %swap3A_30 = tpu.vector_load %arg12[%swap3A_29] {strides = array<i32>} : memref<128xf32, #tpu.memory_space<vmem>>, vector<16xf32>,
    tpu.vector_store %arg12[%swap3A_29], %gather3A_23 {strides = array<i32>} : memref<128xf32, #tpu.memory_space<vmem>>, vector<16xf32>,
    %get3A_31 = arith.constant 0 : i32
    %get3A_32 = arith.index_cast %get3A_31 : i32 to index
    %get3A_33 = arith.constant 16 : index
    %get3A_34 = tpu.vector_load %arg7[%get3A_32, %get3A_33] {strides = array<i32>} : memref<80x128xi32, #tpu.memory_space<vmem>>, vector<16xi32>,
    %get3A_35 = arith.constant 0 : i32
    %get3A_36 = arith.index_cast %get3A_35 : i32 to index
    %get3A_37 = arith.constant 16 : index
    %get3A_38 = tpu.vector_load %arg8[%get3A_36, %get3A_37] {strides = array<i32>} : memref<80x128xi32, #tpu.memory_space<vmem>>, vector<16xi32>,
    %gather3A_39 = tpu.vector_load_idx %arg9[%get3A_34] : memref<10240xi32, #tpu.memory_space<vmem>>[vector<16xi32>], vector<16xi32>,
    %gather3A_40 = tpu.vector_load_idx %arg10[%get3A_34] : memref<10240xf32, #tpu.memory_space<vmem>>[vector<16xi32>], vector<16xf32>,
    %mul3A_41 = arith.constant 128 : i32
    %mul3A_42 = vector.broadcast %mul3A_41 : i32 to vector<16xi32>
    %mul3A_43 = arith.muli %get3A_38, %mul3A_42 : vector<16xi32>
    %add3A_44 = arith.addi %mul3A_43, %gather3A_39 : vector<16xi32>
    %swap3A_45 = arith.constant 16 : index
    %swap3A_46 = tpu.vector_load %arg11[%swap3A_45] {strides = array<i32>} : memref<128xi32, #tpu.memory_space<vmem>>, vector<16xi32>,
    tpu.vector_store %arg11[%swap3A_45], %add3A_44 {strides = array<i32>} : memref<128xi32, #tpu.memory_space<vmem>>, vector<16xi32>,
    %swap3A_47 = arith.constant 16 : index
    %swap3A_48 = tpu.vector_load %arg12[%swap3A_47] {strides = array<i32>} : memref<128xf32, #tpu.memory_space<vmem>>, vector<16xf32>,
    tpu.vector_store %arg12[%swap3A_47], %gather3A_40 {strides = array<i32>} : memref<128xf32, #tpu.memory_space<vmem>>, vector<16xf32>,
    %get3A_49 = arith.constant 0 : i32
    %get3A_50 = arith.index_cast %get3A_49 : i32 to index
    %get3A_51 = arith.constant 32 : index
    %get3A_52 = tpu.vector_load %arg7[%get3A_50, %get3A_51] {strides = array<i32>} : memref<80x128xi32, #tpu.memory_space<vmem>>, vector<16xi32>,
    %get3A_53 = arith.constant 0 : i32
    %get3A_54 = arith.index_cast %get3A_53 : i32 to index
    %get3A_55 = arith.constant 32 : index
    %get3A_56 = tpu.vector_load %arg8[%get3A_54, %get3A_55] {strides = array<i32>} : memref<80x128xi32, #tpu.memory_space<vmem>>, vector<16xi32>,
    %gather3A_57 = tpu.vector_load_idx %arg9[%get3A_52] : memref<10240xi32, #tpu.memory_space<vmem>>[vector<16xi32>], vector<16xi32>,
    %gather3A_58 = tpu.vector_load_idx %arg10[%get3A_52] : memref<10240xf32, #tpu.memory_space<vmem>>[vector<16xi32>], vector<16xf32>,
    %mul3A_59 = arith.constant 128 : i32
    %mul3A_60 = vector.broadcast %mul3A_59 : i32 to vector<16xi32>
    %mul3A_61 = arith.muli %get3A_56, %mul3A_60 : vector<16xi32>
    %add3A_62 = arith.addi %mul3A_61, %gather3A_57 : vector<16xi32>
    %swap3A_63 = arith.constant 32 : index
    %swap3A_64 = tpu.vector_load %arg11[%swap3A_63] {strides = array<i32>} : memref<128xi32, #tpu.memory_space<vmem>>, vector<16xi32>,
    tpu.vector_store %arg11[%swap3A_63], %add3A_62 {strides = array<i32>} : memref<128xi32, #tpu.memory_space<vmem>>, vector<16xi32>,
    %swap3A_65 = arith.constant 32 : index
    %swap3A_66 = tpu.vector_load %arg12[%swap3A_65] {strides = array<i32>} : memref<128xf32, #tpu.memory_space<vmem>>, vector<16xf32>,
    tpu.vector_store %arg12[%swap3A_65], %gather3A_58 {strides = array<i32>} : memref<128xf32, #tpu.memory_space<vmem>>, vector<16xf32>,
    %get3A_67 = arith.constant 0 : i32
    %get3A_68 = arith.index_cast %get3A_67 : i32 to index
    %get3A_69 = arith.constant 48 : index
    %get3A_70 = tpu.vector_load %arg7[%get3A_68, %get3A_69] {strides = array<i32>} : memref<80x128xi32, #tpu.memory_space<vmem>>, vector<16xi32>,
    %get3A_71 = arith.constant 0 : i32
    %get3A_72 = arith.index_cast %get3A_71 : i32 to index
    %get3A_73 = arith.constant 48 : index
    %get3A_74 = tpu.vector_load %arg8[%get3A_72, %get3A_73] {strides = array<i32>} : memref<80x128xi32, #tpu.memory_space<vmem>>, vector<16xi32>,
    %gather3A_75 = tpu.vector_load_idx %arg9[%get3A_70] : memref<10240xi32, #tpu.memory_space<vmem>>[vector<16xi32>], vector<16xi32>,
    %gather3A_76 = tpu.vector_load_idx %arg10[%get3A_70] : memref<10240xf32, #tpu.memory_space<vmem>>[vector<16xi32>], vector<16xf32>,
    %mul3A_77 = arith.constant 128 : i32
    %mul3A_78 = vector.broadcast %mul3A_77 : i32 to vector<16xi32>
    %mul3A_79 = arith.muli %get3A_74, %mul3A_78 : vector<16xi32>
    %add3A_80 = arith.addi %mul3A_79, %gather3A_75 : vector<16xi32>
    %swap3A_81 = arith.constant 48 : index
    %swap3A_82 = tpu.vector_load %arg11[%swap3A_81] {strides = array<i32>} : memref<128xi32, #tpu.memory_space<vmem>>, vector<16xi32>,
    tpu.vector_store %arg11[%swap3A_81], %add3A_80 {strides = array<i32>} : memref<128xi32, #tpu.memory_space<vmem>>, vector<16xi32>,
    %swap3A_83 = arith.constant 48 : index
    %swap3A_84 = tpu.vector_load %arg12[%swap3A_83] {strides = array<i32>} : memref<128xf32, #tpu.memory_space<vmem>>, vector<16xf32>,
    tpu.vector_store %arg12[%swap3A_83], %gather3A_76 {strides = array<i32>} : memref<128xf32, #tpu.memory_space<vmem>>, vector<16xf32>,
    %get3A_85 = arith.constant 0 : i32
    %get3A_86 = arith.index_cast %get3A_85 : i32 to index
    %get3A_87 = arith.constant 64 : index
    %get3A_88 = tpu.vector_load %arg7[%get3A_86, %get3A_87] {strides = array<i32>} : memref<80x128xi32, #tpu.memory_space<vmem>>, vector<16xi32>,
    %get3A_89 = arith.constant 0 : i32
    %get3A_90 = arith.index_cast %get3A_89 : i32 to index
    %get3A_91 = arith.constant 64 : index
    %get3A_92 = tpu.vector_load %arg8[%get3A_90, %get3A_91] {strides = array<i32>} : memref<80x128xi32, #tpu.memory_space<vmem>>, vector<16xi32>,
    %gather3A_93 = tpu.vector_load_idx %arg9[%get3A_88] : memref<10240xi32, #tpu.memory_space<vmem>>[vector<16xi32>], vector<16xi32>,
    %gather3A_94 = tpu.vector_load_idx %arg10[%get3A_88] : memref<10240xf32, #tpu.memory_space<vmem>>[vector<16xi32>], vector<16xf32>,
    %mul3A_95 = arith.constant 128 : i32
    %mul3A_96 = vector.broadcast %mul3A_95 : i32 to vector<16xi32>
    %mul3A_97 = arith.muli %get3A_92, %mul3A_96 : vector<16xi32>
    %add3A_98 = arith.addi %mul3A_97, %gather3A_93 : vector<16xi32>
    %swap3A_99 = arith.constant 64 : index
    %swap3A_100 = tpu.vector_load %arg11[%swap3A_99] {strides = array<i32>} : memref<128xi32, #tpu.memory_space<vmem>>, vector<16xi32>,
    tpu.vector_store %arg11[%swap3A_99], %add3A_98 {strides = array<i32>} : memref<128xi32, #tpu.memory_space<vmem>>, vector<16xi32>,
    %swap3A_101 = arith.constant 64 : index
    %swap3A_102 = tpu.vector_load %arg12[%swap3A_101] {strides = array<i32>} : memref<128xf32, #tpu.memory_space<vmem>>, vector<16xf32>,
    tpu.vector_store %arg12[%swap3A_101], %gather3A_94 {strides = array<i32>} : memref<128xf32, #tpu.memory_space<vmem>>, vector<16xf32>,
    %get3A_103 = arith.constant 0 : i32
    %get3A_104 = arith.index_cast %get3A_103 : i32 to index
    %get3A_105 = arith.constant 80 : index
    %get3A_106 = tpu.vector_load %arg7[%get3A_104, %get3A_105] {strides = array<i32>} : memref<80x128xi32, #tpu.memory_space<vmem>>, vector<16xi32>,
    %get3A_107 = arith.constant 0 : i32
    %get3A_108 = arith.index_cast %get3A_107 : i32 to index
    %get3A_109 = arith.constant 80 : index
    %get3A_110 = tpu.vector_load %arg8[%get3A_108, %get3A_109] {strides = array<i32>} : memref<80x128xi32, #tpu.memory_space<vmem>>, vector<16xi32>,
    %gather3A_111 = tpu.vector_load_idx %arg9[%get3A_106] : memref<10240xi32, #tpu.memory_space<vmem>>[vector<16xi32>], vector<16xi32>,
    %gather3A_112 = tpu.vector_load_idx %arg10[%get3A_106] : memref<10240xf32, #tpu.memory_space<vmem>>[vector<16xi32>], vector<16xf32>,
    %mul3A_113 = arith.constant 128 : i32
    %mul3A_114 = vector.broadcast %mul3A_113 : i32 to vector<16xi32>
    %mul3A_115 = arith.muli %get3A_110, %mul3A_114 : vector<16xi32>
    %add3A_116 = arith.addi %mul3A_115, %gather3A_111 : vector<16xi32>
    %swap3A_117 = arith.constant 80 : index
    %swap3A_118 = tpu.vector_load %arg11[%swap3A_117] {strides = array<i32>} : memref<128xi32, #tpu.memory_space<vmem>>, vector<16xi32>,
    tpu.vector_store %arg11[%swap3A_117], %add3A_116 {strides = array<i32>} : memref<128xi32, #tpu.memory_space<vmem>>, vector<16xi32>,
    %swap3A_119 = arith.constant 80 : index
    %swap3A_120 = tpu.vector_load %arg12[%swap3A_119] {strides = array<i32>} : memref<128xf32, #tpu.memory_space<vmem>>, vector<16xf32>,
    tpu.vector_store %arg12[%swap3A_119], %gather3A_112 {strides = array<i32>} : memref<128xf32, #tpu.memory_space<vmem>>, vector<16xf32>,
    %get3A_121 = arith.constant 0 : i32
    %get3A_122 = arith.index_cast %get3A_121 : i32 to index
    %get3A_123 = arith.constant 96 : index
    %get3A_124 = tpu.vector_load %arg7[%get3A_122, %get3A_123] {strides = array<i32>} : memref<80x128xi32, #tpu.memory_space<vmem>>, vector<16xi32>,
    %get3A_125 = arith.constant 0 : i32
    %get3A_126 = arith.index_cast %get3A_125 : i32 to index
    %get3A_127 = arith.constant 96 : index
    %get3A_128 = tpu.vector_load %arg8[%get3A_126, %get3A_127] {strides = array<i32>} : memref<80x128xi32, #tpu.memory_space<vmem>>, vector<16xi32>,
    %gather3A_129 = tpu.vector_load_idx %arg9[%get3A_124] : memref<10240xi32, #tpu.memory_space<vmem>>[vector<16xi32>], vector<16xi32>,
    %gather3A_130 = tpu.vector_load_idx %arg10[%get3A_124] : memref<10240xf32, #tpu.memory_space<vmem>>[vector<16xi32>], vector<16xf32>,
    %mul3A_131 = arith.constant 128 : i32
    %mul3A_132 = vector.broadcast %mul3A_131 : i32 to vector<16xi32>
    %mul3A_133 = arith.muli %get3A_128, %mul3A_132 : vector<16xi32>
    %add3A_134 = arith.addi %mul3A_133, %gather3A_129 : vector<16xi32>
    %swap3A_135 = arith.constant 96 : index
    %swap3A_136 = tpu.vector_load %arg11[%swap3A_135] {strides = array<i32>} : memref<128xi32, #tpu.memory_space<vmem>>, vector<16xi32>,
    tpu.vector_store %arg11[%swap3A_135], %add3A_134 {strides = array<i32>} : memref<128xi32, #tpu.memory_space<vmem>>, vector<16xi32>,
    %swap3A_137 = arith.constant 96 : index
    %swap3A_138 = tpu.vector_load %arg12[%swap3A_137] {strides = array<i32>} : memref<128xf32, #tpu.memory_space<vmem>>, vector<16xf32>,
    tpu.vector_store %arg12[%swap3A_137], %gather3A_130 {strides = array<i32>} : memref<128xf32, #tpu.memory_space<vmem>>, vector<16xf32>,
    %get3A_139 = arith.constant 0 : i32
    %get3A_140 = arith.index_cast %get3A_139 : i32 to index
    %get3A_141 = arith.constant 112 : index
    %get3A_142 = tpu.vector_load %arg7[%get3A_140, %get3A_141] {strides = array<i32>} : memref<80x128xi32, #tpu.memory_space<vmem>>, vector<16xi32>,
    %get3A_143 = arith.constant 0 : i32
    %get3A_144 = arith.index_cast %get3A_143 : i32 to index
    %get3A_145 = arith.constant 112 : index
    %get3A_146 = tpu.vector_load %arg8[%get3A_144, %get3A_145] {strides = array<i32>} : memref<80x128xi32, #tpu.memory_space<vmem>>, vector<16xi32>,
    %gather3A_147 = tpu.vector_load_idx %arg9[%get3A_142] : memref<10240xi32, #tpu.memory_space<vmem>>[vector<16xi32>], vector<16xi32>,
    %gather3A_148 = tpu.vector_load_idx %arg10[%get3A_142] : memref<10240xf32, #tpu.memory_space<vmem>>[vector<16xi32>], vector<16xf32>,
    %mul3A_149 = arith.constant 128 : i32
    %mul3A_150 = vector.broadcast %mul3A_149 : i32 to vector<16xi32>
    %mul3A_151 = arith.muli %get3A_146, %mul3A_150 : vector<16xi32>
    %add3A_152 = arith.addi %mul3A_151, %gather3A_147 : vector<16xi32>
    %swap3A_153 = arith.constant 112 : index
    %swap3A_154 = tpu.vector_load %arg11[%swap3A_153] {strides = array<i32>} : memref<128xi32, #tpu.memory_space<vmem>>, vector<16xi32>,
    tpu.vector_store %arg11[%swap3A_153], %add3A_152 {strides = array<i32>} : memref<128xi32, #tpu.memory_space<vmem>>, vector<16xi32>,
    %swap3A_155 = arith.constant 112 : index
    %swap3A_156 = tpu.vector_load %arg12[%swap3A_155] {strides = array<i32>} : memref<128xf32, #tpu.memory_space<vmem>>, vector<16xf32>,
    tpu.vector_store %arg12[%swap3A_155], %gather3A_148 {strides = array<i32>} : memref<128xf32, #tpu.memory_space<vmem>>, vector<16xf32>,
    %scan3A_157 = arith.constant 0 : i32
    %scan3A_158 = arith.constant 0 : i32
    %scan3A_159 = arith.constant 40 : i32
    %scan3A_160 = arith.addi %scan3A_158, %scan3A_159 : i32
    %scan3A_161 = arith.constant 1 : i32
    %scan3A_162 = scf.for %scan3A_169 = %scan3A_158 to %scan3A_160 step %scan3A_161 iter_args(%scan3A_170 = %scan3A_157) -> (i32)  : i32 {
      %mul3A_171 = arith.constant 2 : i32
      %mul3A_172 = arith.muli %mul3A_171, %scan3A_169 : i32
      %dma_start3A = arith.constant 0 : i32
      %dma_start3A_173 = tpu.memref_slice %arg16[%dma_start3A] : memref<1310720xf32, #tpu.memory_space<vmem_shared>> -> memref<1310720xf32, #tpu.memory_space<vmem_shared>>
      tpu.enqueue_indirect_dma source(%arg12 : memref<128xf32, #tpu.memory_space<vmem>>) target(%dma_start3A_173 : memref<1310720xf32, #tpu.memory_space<vmem_shared>>) offsets(%arg11 : memref<128xi32, #tpu.memory_space<vmem>>) semaphore(%arg17 : memref<!tpu.dma_semaphore, #tpu.memory_space<semaphore_mem>>) {add = true}
      %add3A_174 = arith.constant 1 : i32
      %add3A_175 = arith.addi %mul3A_172, %add3A_174 : i32
      %get3A_176 = arith.index_cast %add3A_175 : i32 to index
      %get3A_177 = arith.constant 0 : index
      %get3A_178 = tpu.vector_load %arg7[%get3A_176, %get3A_177] {strides = array<i32>} : memref<80x128xi32, #tpu.memory_space<vmem>>, vector<16xi32>,
      %get3A_179 = arith.index_cast %add3A_175 : i32 to index
      %get3A_180 = arith.constant 0 : index
      %get3A_181 = tpu.vector_load %arg8[%get3A_179, %get3A_180] {strides = array<i32>} : memref<80x128xi32, #tpu.memory_space<vmem>>, vector<16xi32>,
      %gather3A_182 = tpu.vector_load_idx %arg9[%get3A_178] : memref<10240xi32, #tpu.memory_space<vmem>>[vector<16xi32>], vector<16xi32>,
      %gather3A_183 = tpu.vector_load_idx %arg10[%get3A_178] : memref<10240xf32, #tpu.memory_space<vmem>>[vector<16xi32>], vector<16xf32>,
      %mul3A_184 = arith.constant 128 : i32
      %mul3A_185 = vector.broadcast %mul3A_184 : i32 to vector<16xi32>
      %mul3A_186 = arith.muli %get3A_181, %mul3A_185 : vector<16xi32>
      %add3A_187 = arith.addi %mul3A_186, %gather3A_182 : vector<16xi32>
      %swap3A_188 = arith.constant 0 : index
      %swap3A_189 = tpu.vector_load %arg13[%swap3A_188] {strides = array<i32>} : memref<128xi32, #tpu.memory_space<vmem>>, vector<16xi32>,
      tpu.vector_store %arg13[%swap3A_188], %add3A_187 {strides = array<i32>} : memref<128xi32, #tpu.memory_space<vmem>>, vector<16xi32>,
      %swap3A_190 = arith.constant 0 : index
      %swap3A_191 = tpu.vector_load %arg14[%swap3A_190] {strides = array<i32>} : memref<128xf32, #tpu.memory_space<vmem>>, vector<16xf32>,
      tpu.vector_store %arg14[%swap3A_190], %gather3A_183 {strides = array<i32>} : memref<128xf32, #tpu.memory_space<vmem>>, vector<16xf32>,
      %get3A_192 = arith.index_cast %add3A_175 : i32 to index
      %get3A_193 = arith.constant 16 : index
      %get3A_194 = tpu.vector_load %arg7[%get3A_192, %get3A_193] {strides = array<i32>} : memref<80x128xi32, #tpu.memory_space<vmem>>, vector<16xi32>,
      %get3A_195 = arith.index_cast %add3A_175 : i32 to index
      %get3A_196 = arith.constant 16 : index
      %get3A_197 = tpu.vector_load %arg8[%get3A_195, %get3A_196] {strides = array<i32>} : memref<80x128xi32, #tpu.memory_space<vmem>>, vector<16xi32>,
      %gather3A_198 = tpu.vector_load_idx %arg9[%get3A_194] : memref<10240xi32, #tpu.memory_space<vmem>>[vector<16xi32>], vector<16xi32>,
      %gather3A_199 = tpu.vector_load_idx %arg10[%get3A_194] : memref<10240xf32, #tpu.memory_space<vmem>>[vector<16xi32>], vector<16xf32>,
      %mul3A_200 = arith.constant 128 : i32
      %mul3A_201 = vector.broadcast %mul3A_200 : i32 to vector<16xi32>
      %mul3A_202 = arith.muli %get3A_197, %mul3A_201 : vector<16xi32>
      %add3A_203 = arith.addi %mul3A_202, %gather3A_198 : vector<16xi32>
      %swap3A_204 = arith.constant 16 : index
      %swap3A_205 = tpu.vector_load %arg13[%swap3A_204] {strides = array<i32>} : memref<128xi32, #tpu.memory_space<vmem>>, vector<16xi32>,
      tpu.vector_store %arg13[%swap3A_204], %add3A_203 {strides = array<i32>} : memref<128xi32, #tpu.memory_space<vmem>>, vector<16xi32>,
      %swap3A_206 = arith.constant 16 : index
      %swap3A_207 = tpu.vector_load %arg14[%swap3A_206] {strides = array<i32>} : memref<128xf32, #tpu.memory_space<vmem>>, vector<16xf32>,
      tpu.vector_store %arg14[%swap3A_206], %gather3A_199 {strides = array<i32>} : memref<128xf32, #tpu.memory_space<vmem>>, vector<16xf32>,
      %get3A_208 = arith.index_cast %add3A_175 : i32 to index
      %get3A_209 = arith.constant 32 : index
      %get3A_210 = tpu.vector_load %arg7[%get3A_208, %get3A_209] {strides = array<i32>} : memref<80x128xi32, #tpu.memory_space<vmem>>, vector<16xi32>,
      %get3A_211 = arith.index_cast %add3A_175 : i32 to index
      %get3A_212 = arith.constant 32 : index
      %get3A_213 = tpu.vector_load %arg8[%get3A_211, %get3A_212] {strides = array<i32>} : memref<80x128xi32, #tpu.memory_space<vmem>>, vector<16xi32>,
      %gather3A_214 = tpu.vector_load_idx %arg9[%get3A_210] : memref<10240xi32, #tpu.memory_space<vmem>>[vector<16xi32>], vector<16xi32>,
      %gather3A_215 = tpu.vector_load_idx %arg10[%get3A_210] : memref<10240xf32, #tpu.memory_space<vmem>>[vector<16xi32>], vector<16xf32>,
      %mul3A_216 = arith.constant 128 : i32
      %mul3A_217 = vector.broadcast %mul3A_216 : i32 to vector<16xi32>
      %mul3A_218 = arith.muli %get3A_213, %mul3A_217 : vector<16xi32>
      %add3A_219 = arith.addi %mul3A_218, %gather3A_214 : vector<16xi32>
      %swap3A_220 = arith.constant 32 : index
      %swap3A_221 = tpu.vector_load %arg13[%swap3A_220] {strides = array<i32>} : memref<128xi32, #tpu.memory_space<vmem>>, vector<16xi32>,
      tpu.vector_store %arg13[%swap3A_220], %add3A_219 {strides = array<i32>} : memref<128xi32, #tpu.memory_space<vmem>>, vector<16xi32>,
      %swap3A_222 = arith.constant 32 : index
      %swap3A_223 = tpu.vector_load %arg14[%swap3A_222] {strides = array<i32>} : memref<128xf32, #tpu.memory_space<vmem>>, vector<16xf32>,
      tpu.vector_store %arg14[%swap3A_222], %gather3A_215 {strides = array<i32>} : memref<128xf32, #tpu.memory_space<vmem>>, vector<16xf32>,
      %get3A_224 = arith.index_cast %add3A_175 : i32 to index
      %get3A_225 = arith.constant 48 : index
      %get3A_226 = tpu.vector_load %arg7[%get3A_224, %get3A_225] {strides = array<i32>} : memref<80x128xi32, #tpu.memory_space<vmem>>, vector<16xi32>,
      %get3A_227 = arith.index_cast %add3A_175 : i32 to index
      %get3A_228 = arith.constant 48 : index
      %get3A_229 = tpu.vector_load %arg8[%get3A_227, %get3A_228] {strides = array<i32>} : memref<80x128xi32, #tpu.memory_space<vmem>>, vector<16xi32>,
      %gather3A_230 = tpu.vector_load_idx %arg9[%get3A_226] : memref<10240xi32, #tpu.memory_space<vmem>>[vector<16xi32>], vector<16xi32>,
      %gather3A_231 = tpu.vector_load_idx %arg10[%get3A_226] : memref<10240xf32, #tpu.memory_space<vmem>>[vector<16xi32>], vector<16xf32>,
      %mul3A_232 = arith.constant 128 : i32
      %mul3A_233 = vector.broadcast %mul3A_232 : i32 to vector<16xi32>
      %mul3A_234 = arith.muli %get3A_229, %mul3A_233 : vector<16xi32>
      %add3A_235 = arith.addi %mul3A_234, %gather3A_230 : vector<16xi32>
      %swap3A_236 = arith.constant 48 : index
      %swap3A_237 = tpu.vector_load %arg13[%swap3A_236] {strides = array<i32>} : memref<128xi32, #tpu.memory_space<vmem>>, vector<16xi32>,
      tpu.vector_store %arg13[%swap3A_236], %add3A_235 {strides = array<i32>} : memref<128xi32, #tpu.memory_space<vmem>>, vector<16xi32>,
      %swap3A_238 = arith.constant 48 : index
      %swap3A_239 = tpu.vector_load %arg14[%swap3A_238] {strides = array<i32>} : memref<128xf32, #tpu.memory_space<vmem>>, vector<16xf32>,
      tpu.vector_store %arg14[%swap3A_238], %gather3A_231 {strides = array<i32>} : memref<128xf32, #tpu.memory_space<vmem>>, vector<16xf32>,
      %get3A_240 = arith.index_cast %add3A_175 : i32 to index
      %get3A_241 = arith.constant 64 : index
      %get3A_242 = tpu.vector_load %arg7[%get3A_240, %get3A_241] {strides = array<i32>} : memref<80x128xi32, #tpu.memory_space<vmem>>, vector<16xi32>,
      %get3A_243 = arith.index_cast %add3A_175 : i32 to index
      %get3A_244 = arith.constant 64 : index
      %get3A_245 = tpu.vector_load %arg8[%get3A_243, %get3A_244] {strides = array<i32>} : memref<80x128xi32, #tpu.memory_space<vmem>>, vector<16xi32>,
      %gather3A_246 = tpu.vector_load_idx %arg9[%get3A_242] : memref<10240xi32, #tpu.memory_space<vmem>>[vector<16xi32>], vector<16xi32>,
      %gather3A_247 = tpu.vector_load_idx %arg10[%get3A_242] : memref<10240xf32, #tpu.memory_space<vmem>>[vector<16xi32>], vector<16xf32>,
      %mul3A_248 = arith.constant 128 : i32
      %mul3A_249 = vector.broadcast %mul3A_248 : i32 to vector<16xi32>
      %mul3A_250 = arith.muli %get3A_245, %mul3A_249 : vector<16xi32>
      %add3A_251 = arith.addi %mul3A_250, %gather3A_246 : vector<16xi32>
      %swap3A_252 = arith.constant 64 : index
      %swap3A_253 = tpu.vector_load %arg13[%swap3A_252] {strides = array<i32>} : memref<128xi32, #tpu.memory_space<vmem>>, vector<16xi32>,
      tpu.vector_store %arg13[%swap3A_252], %add3A_251 {strides = array<i32>} : memref<128xi32, #tpu.memory_space<vmem>>, vector<16xi32>,
      %swap3A_254 = arith.constant 64 : index
      %swap3A_255 = tpu.vector_load %arg14[%swap3A_254] {strides = array<i32>} : memref<128xf32, #tpu.memory_space<vmem>>, vector<16xf32>,
      tpu.vector_store %arg14[%swap3A_254], %gather3A_247 {strides = array<i32>} : memref<128xf32, #tpu.memory_space<vmem>>, vector<16xf32>,
      %get3A_256 = arith.index_cast %add3A_175 : i32 to index
      %get3A_257 = arith.constant 80 : index
      %get3A_258 = tpu.vector_load %arg7[%get3A_256, %get3A_257] {strides = array<i32>} : memref<80x128xi32, #tpu.memory_space<vmem>>, vector<16xi32>,
      %get3A_259 = arith.index_cast %add3A_175 : i32 to index
      %get3A_260 = arith.constant 80 : index
      %get3A_261 = tpu.vector_load %arg8[%get3A_259, %get3A_260] {strides = array<i32>} : memref<80x128xi32, #tpu.memory_space<vmem>>, vector<16xi32>,
      %gather3A_262 = tpu.vector_load_idx %arg9[%get3A_258] : memref<10240xi32, #tpu.memory_space<vmem>>[vector<16xi32>], vector<16xi32>,
      %gather3A_263 = tpu.vector_load_idx %arg10[%get3A_258] : memref<10240xf32, #tpu.memory_space<vmem>>[vector<16xi32>], vector<16xf32>,
      %mul3A_264 = arith.constant 128 : i32
      %mul3A_265 = vector.broadcast %mul3A_264 : i32 to vector<16xi32>
      %mul3A_266 = arith.muli %get3A_261, %mul3A_265 : vector<16xi32>
      %add3A_267 = arith.addi %mul3A_266, %gather3A_262 : vector<16xi32>
      %swap3A_268 = arith.constant 80 : index
      %swap3A_269 = tpu.vector_load %arg13[%swap3A_268] {strides = array<i32>} : memref<128xi32, #tpu.memory_space<vmem>>, vector<16xi32>,
      tpu.vector_store %arg13[%swap3A_268], %add3A_267 {strides = array<i32>} : memref<128xi32, #tpu.memory_space<vmem>>, vector<16xi32>,
      %swap3A_270 = arith.constant 80 : index
      %swap3A_271 = tpu.vector_load %arg14[%swap3A_270] {strides = array<i32>} : memref<128xf32, #tpu.memory_space<vmem>>, vector<16xf32>,
      tpu.vector_store %arg14[%swap3A_270], %gather3A_263 {strides = array<i32>} : memref<128xf32, #tpu.memory_space<vmem>>, vector<16xf32>,
      %get3A_272 = arith.index_cast %add3A_175 : i32 to index
      %get3A_273 = arith.constant 96 : index
      %get3A_274 = tpu.vector_load %arg7[%get3A_272, %get3A_273] {strides = array<i32>} : memref<80x128xi32, #tpu.memory_space<vmem>>, vector<16xi32>,
      %get3A_275 = arith.index_cast %add3A_175 : i32 to index
      %get3A_276 = arith.constant 96 : index
      %get3A_277 = tpu.vector_load %arg8[%get3A_275, %get3A_276] {strides = array<i32>} : memref<80x128xi32, #tpu.memory_space<vmem>>, vector<16xi32>,
      %gather3A_278 = tpu.vector_load_idx %arg9[%get3A_274] : memref<10240xi32, #tpu.memory_space<vmem>>[vector<16xi32>], vector<16xi32>,
      %gather3A_279 = tpu.vector_load_idx %arg10[%get3A_274] : memref<10240xf32, #tpu.memory_space<vmem>>[vector<16xi32>], vector<16xf32>,
      %mul3A_280 = arith.constant 128 : i32
      %mul3A_281 = vector.broadcast %mul3A_280 : i32 to vector<16xi32>
      %mul3A_282 = arith.muli %get3A_277, %mul3A_281 : vector<16xi32>
      %add3A_283 = arith.addi %mul3A_282, %gather3A_278 : vector<16xi32>
      %swap3A_284 = arith.constant 96 : index
      %swap3A_285 = tpu.vector_load %arg13[%swap3A_284] {strides = array<i32>} : memref<128xi32, #tpu.memory_space<vmem>>, vector<16xi32>,
      tpu.vector_store %arg13[%swap3A_284], %add3A_283 {strides = array<i32>} : memref<128xi32, #tpu.memory_space<vmem>>, vector<16xi32>,
      %swap3A_286 = arith.constant 96 : index
      %swap3A_287 = tpu.vector_load %arg14[%swap3A_286] {strides = array<i32>} : memref<128xf32, #tpu.memory_space<vmem>>, vector<16xf32>,
      tpu.vector_store %arg14[%swap3A_286], %gather3A_279 {strides = array<i32>} : memref<128xf32, #tpu.memory_space<vmem>>, vector<16xf32>,
      %get3A_288 = arith.index_cast %add3A_175 : i32 to index
      %get3A_289 = arith.constant 112 : index
      %get3A_290 = tpu.vector_load %arg7[%get3A_288, %get3A_289] {strides = array<i32>} : memref<80x128xi32, #tpu.memory_space<vmem>>, vector<16xi32>,
      %get3A_291 = arith.index_cast %add3A_175 : i32 to index
      %get3A_292 = arith.constant 112 : index
      %get3A_293 = tpu.vector_load %arg8[%get3A_291, %get3A_292] {strides = array<i32>} : memref<80x128xi32, #tpu.memory_space<vmem>>, vector<16xi32>,
      %gather3A_294 = tpu.vector_load_idx %arg9[%get3A_290] : memref<10240xi32, #tpu.memory_space<vmem>>[vector<16xi32>], vector<16xi32>,
      %gather3A_295 = tpu.vector_load_idx %arg10[%get3A_290] : memref<10240xf32, #tpu.memory_space<vmem>>[vector<16xi32>], vector<16xf32>,
      %mul3A_296 = arith.constant 128 : i32
      %mul3A_297 = vector.broadcast %mul3A_296 : i32 to vector<16xi32>
      %mul3A_298 = arith.muli %get3A_293, %mul3A_297 : vector<16xi32>
      %add3A_299 = arith.addi %mul3A_298, %gather3A_294 : vector<16xi32>
      %swap3A_300 = arith.constant 112 : index
      %swap3A_301 = tpu.vector_load %arg13[%swap3A_300] {strides = array<i32>} : memref<128xi32, #tpu.memory_space<vmem>>, vector<16xi32>,
      tpu.vector_store %arg13[%swap3A_300], %add3A_299 {strides = array<i32>} : memref<128xi32, #tpu.memory_space<vmem>>, vector<16xi32>,
      %swap3A_302 = arith.constant 112 : index
      %swap3A_303 = tpu.vector_load %arg14[%swap3A_302] {strides = array<i32>} : memref<128xf32, #tpu.memory_space<vmem>>, vector<16xf32>,
      tpu.vector_store %arg14[%swap3A_302], %gather3A_295 {strides = array<i32>} : memref<128xf32, #tpu.memory_space<vmem>>, vector<16xf32>,
      %dma_wait3A = arith.constant 0 : i32
      %dma_wait3A_304 = tpu.memref_slice %arg16[%dma_wait3A] : memref<1310720xf32, #tpu.memory_space<vmem_shared>> -> memref<1310720xf32, #tpu.memory_space<vmem_shared>>
      tpu.wait_indirect_dma semaphore(%arg17 : memref<!tpu.dma_semaphore, #tpu.memory_space<semaphore_mem>>) src(%arg12 : memref<128xf32, #tpu.memory_space<vmem>>) dst(%dma_wait3A_304 : memref<1310720xf32, #tpu.memory_space<vmem_shared>>)
      %dma_start3A_305 = arith.constant 0 : i32
      %dma_start3A_306 = tpu.memref_slice %arg16[%dma_start3A_305] : memref<1310720xf32, #tpu.memory_space<vmem_shared>> -> memref<1310720xf32, #tpu.memory_space<vmem_shared>>
      tpu.enqueue_indirect_dma source(%arg14 : memref<128xf32, #tpu.memory_space<vmem>>) target(%dma_start3A_306 : memref<1310720xf32, #tpu.memory_space<vmem_shared>>) offsets(%arg13 : memref<128xi32, #tpu.memory_space<vmem>>) semaphore(%arg17 : memref<!tpu.dma_semaphore, #tpu.memory_space<semaphore_mem>>) {add = true}
      %add3A_307 = arith.constant 2 : i32
      %add3A_308 = arith.addi %mul3A_172, %add3A_307 : i32
      %lt3A = arith.constant 80 : i32
      %lt3A_309 = arith.cmpi slt, %add3A_308, %lt3A : i32
      %convert_element_type3A = arith.extui %lt3A_309 : i1 to i32
      %cond3A = arith.constant 0 : i32
      %cond3A_310 = arith.cmpi ne, %convert_element_type3A, %cond3A : i32
      scf.if %cond3A_310 {
        %add3A_314 = arith.constant 2 : i32
        %add3A_315 = arith.addi %mul3A_172, %add3A_314 : i32
        %get3A_316 = arith.index_cast %add3A_315 : i32 to index
        %get3A_317 = arith.constant 0 : index
        %get3A_318 = tpu.vector_load %arg7[%get3A_316, %get3A_317] {strides = array<i32>} : memref<80x128xi32, #tpu.memory_space<vmem>>, vector<16xi32>,
        %get3A_319 = arith.index_cast %add3A_315 : i32 to index
        %get3A_320 = arith.constant 0 : index
        %get3A_321 = tpu.vector_load %arg8[%get3A_319, %get3A_320] {strides = array<i32>} : memref<80x128xi32, #tpu.memory_space<vmem>>, vector<16xi32>,
        %gather3A_322 = tpu.vector_load_idx %arg9[%get3A_318] : memref<10240xi32, #tpu.memory_space<vmem>>[vector<16xi32>], vector<16xi32>,
        %gather3A_323 = tpu.vector_load_idx %arg10[%get3A_318] : memref<10240xf32, #tpu.memory_space<vmem>>[vector<16xi32>], vector<16xf32>,
        %mul3A_324 = arith.constant 128 : i32
        %mul3A_325 = vector.broadcast %mul3A_324 : i32 to vector<16xi32>
        %mul3A_326 = arith.muli %get3A_321, %mul3A_325 : vector<16xi32>
        %add3A_327 = arith.addi %mul3A_326, %gather3A_322 : vector<16xi32>
        %swap3A_328 = arith.constant 0 : index
        %swap3A_329 = tpu.vector_load %arg11[%swap3A_328] {strides = array<i32>} : memref<128xi32, #tpu.memory_space<vmem>>, vector<16xi32>,
        tpu.vector_store %arg11[%swap3A_328], %add3A_327 {strides = array<i32>} : memref<128xi32, #tpu.memory_space<vmem>>, vector<16xi32>,
        %swap3A_330 = arith.constant 0 : index
        %swap3A_331 = tpu.vector_load %arg12[%swap3A_330] {strides = array<i32>} : memref<128xf32, #tpu.memory_space<vmem>>, vector<16xf32>,
        tpu.vector_store %arg12[%swap3A_330], %gather3A_323 {strides = array<i32>} : memref<128xf32, #tpu.memory_space<vmem>>, vector<16xf32>,
        %get3A_332 = arith.index_cast %add3A_315 : i32 to index
        %get3A_333 = arith.constant 16 : index
        %get3A_334 = tpu.vector_load %arg7[%get3A_332, %get3A_333] {strides = array<i32>} : memref<80x128xi32, #tpu.memory_space<vmem>>, vector<16xi32>,
        %get3A_335 = arith.index_cast %add3A_315 : i32 to index
        %get3A_336 = arith.constant 16 : index
        %get3A_337 = tpu.vector_load %arg8[%get3A_335, %get3A_336] {strides = array<i32>} : memref<80x128xi32, #tpu.memory_space<vmem>>, vector<16xi32>,
        %gather3A_338 = tpu.vector_load_idx %arg9[%get3A_334] : memref<10240xi32, #tpu.memory_space<vmem>>[vector<16xi32>], vector<16xi32>,
        %gather3A_339 = tpu.vector_load_idx %arg10[%get3A_334] : memref<10240xf32, #tpu.memory_space<vmem>>[vector<16xi32>], vector<16xf32>,
        %mul3A_340 = arith.constant 128 : i32
        %mul3A_341 = vector.broadcast %mul3A_340 : i32 to vector<16xi32>
        %mul3A_342 = arith.muli %get3A_337, %mul3A_341 : vector<16xi32>
        %add3A_343 = arith.addi %mul3A_342, %gather3A_338 : vector<16xi32>
        %swap3A_344 = arith.constant 16 : index
        %swap3A_345 = tpu.vector_load %arg11[%swap3A_344] {strides = array<i32>} : memref<128xi32, #tpu.memory_space<vmem>>, vector<16xi32>,
        tpu.vector_store %arg11[%swap3A_344], %add3A_343 {strides = array<i32>} : memref<128xi32, #tpu.memory_space<vmem>>, vector<16xi32>,
        %swap3A_346 = arith.constant 16 : index
        %swap3A_347 = tpu.vector_load %arg12[%swap3A_346] {strides = array<i32>} : memref<128xf32, #tpu.memory_space<vmem>>, vector<16xf32>,
        tpu.vector_store %arg12[%swap3A_346], %gather3A_339 {strides = array<i32>} : memref<128xf32, #tpu.memory_space<vmem>>, vector<16xf32>,
        %get3A_348 = arith.index_cast %add3A_315 : i32 to index
        %get3A_349 = arith.constant 32 : index
        %get3A_350 = tpu.vector_load %arg7[%get3A_348, %get3A_349] {strides = array<i32>} : memref<80x128xi32, #tpu.memory_space<vmem>>, vector<16xi32>,
        %get3A_351 = arith.index_cast %add3A_315 : i32 to index
        %get3A_352 = arith.constant 32 : index
        %get3A_353 = tpu.vector_load %arg8[%get3A_351, %get3A_352] {strides = array<i32>} : memref<80x128xi32, #tpu.memory_space<vmem>>, vector<16xi32>,
        %gather3A_354 = tpu.vector_load_idx %arg9[%get3A_350] : memref<10240xi32, #tpu.memory_space<vmem>>[vector<16xi32>], vector<16xi32>,
        %gather3A_355 = tpu.vector_load_idx %arg10[%get3A_350] : memref<10240xf32, #tpu.memory_space<vmem>>[vector<16xi32>], vector<16xf32>,
        %mul3A_356 = arith.constant 128 : i32
        %mul3A_357 = vector.broadcast %mul3A_356 : i32 to vector<16xi32>
        %mul3A_358 = arith.muli %get3A_353, %mul3A_357 : vector<16xi32>
        %add3A_359 = arith.addi %mul3A_358, %gather3A_354 : vector<16xi32>
        %swap3A_360 = arith.constant 32 : index
        %swap3A_361 = tpu.vector_load %arg11[%swap3A_360] {strides = array<i32>} : memref<128xi32, #tpu.memory_space<vmem>>, vector<16xi32>,
        tpu.vector_store %arg11[%swap3A_360], %add3A_359 {strides = array<i32>} : memref<128xi32, #tpu.memory_space<vmem>>, vector<16xi32>,
        %swap3A_362 = arith.constant 32 : index
        %swap3A_363 = tpu.vector_load %arg12[%swap3A_362] {strides = array<i32>} : memref<128xf32, #tpu.memory_space<vmem>>, vector<16xf32>,
        tpu.vector_store %arg12[%swap3A_362], %gather3A_355 {strides = array<i32>} : memref<128xf32, #tpu.memory_space<vmem>>, vector<16xf32>,
        %get3A_364 = arith.index_cast %add3A_315 : i32 to index
        %get3A_365 = arith.constant 48 : index
        %get3A_366 = tpu.vector_load %arg7[%get3A_364, %get3A_365] {strides = array<i32>} : memref<80x128xi32, #tpu.memory_space<vmem>>, vector<16xi32>,
        %get3A_367 = arith.index_cast %add3A_315 : i32 to index
        %get3A_368 = arith.constant 48 : index
        %get3A_369 = tpu.vector_load %arg8[%get3A_367, %get3A_368] {strides = array<i32>} : memref<80x128xi32, #tpu.memory_space<vmem>>, vector<16xi32>,
        %gather3A_370 = tpu.vector_load_idx %arg9[%get3A_366] : memref<10240xi32, #tpu.memory_space<vmem>>[vector<16xi32>], vector<16xi32>,
        %gather3A_371 = tpu.vector_load_idx %arg10[%get3A_366] : memref<10240xf32, #tpu.memory_space<vmem>>[vector<16xi32>], vector<16xf32>,
        %mul3A_372 = arith.constant 128 : i32
        %mul3A_373 = vector.broadcast %mul3A_372 : i32 to vector<16xi32>
        %mul3A_374 = arith.muli %get3A_369, %mul3A_373 : vector<16xi32>
        %add3A_375 = arith.addi %mul3A_374, %gather3A_370 : vector<16xi32>
        %swap3A_376 = arith.constant 48 : index
        %swap3A_377 = tpu.vector_load %arg11[%swap3A_376] {strides = array<i32>} : memref<128xi32, #tpu.memory_space<vmem>>, vector<16xi32>,
        tpu.vector_store %arg11[%swap3A_376], %add3A_375 {strides = array<i32>} : memref<128xi32, #tpu.memory_space<vmem>>, vector<16xi32>,
        %swap3A_378 = arith.constant 48 : index
        %swap3A_379 = tpu.vector_load %arg12[%swap3A_378] {strides = array<i32>} : memref<128xf32, #tpu.memory_space<vmem>>, vector<16xf32>,
        tpu.vector_store %arg12[%swap3A_378], %gather3A_371 {strides = array<i32>} : memref<128xf32, #tpu.memory_space<vmem>>, vector<16xf32>,
        %get3A_380 = arith.index_cast %add3A_315 : i32 to index
        %get3A_381 = arith.constant 64 : index
        %get3A_382 = tpu.vector_load %arg7[%get3A_380, %get3A_381] {strides = array<i32>} : memref<80x128xi32, #tpu.memory_space<vmem>>, vector<16xi32>,
        %get3A_383 = arith.index_cast %add3A_315 : i32 to index
        %get3A_384 = arith.constant 64 : index
        %get3A_385 = tpu.vector_load %arg8[%get3A_383, %get3A_384] {strides = array<i32>} : memref<80x128xi32, #tpu.memory_space<vmem>>, vector<16xi32>,
        %gather3A_386 = tpu.vector_load_idx %arg9[%get3A_382] : memref<10240xi32, #tpu.memory_space<vmem>>[vector<16xi32>], vector<16xi32>,
        %gather3A_387 = tpu.vector_load_idx %arg10[%get3A_382] : memref<10240xf32, #tpu.memory_space<vmem>>[vector<16xi32>], vector<16xf32>,
        %mul3A_388 = arith.constant 128 : i32
        %mul3A_389 = vector.broadcast %mul3A_388 : i32 to vector<16xi32>
        %mul3A_390 = arith.muli %get3A_385, %mul3A_389 : vector<16xi32>
        %add3A_391 = arith.addi %mul3A_390, %gather3A_386 : vector<16xi32>
        %swap3A_392 = arith.constant 64 : index
        %swap3A_393 = tpu.vector_load %arg11[%swap3A_392] {strides = array<i32>} : memref<128xi32, #tpu.memory_space<vmem>>, vector<16xi32>,
        tpu.vector_store %arg11[%swap3A_392], %add3A_391 {strides = array<i32>} : memref<128xi32, #tpu.memory_space<vmem>>, vector<16xi32>,
        %swap3A_394 = arith.constant 64 : index
        %swap3A_395 = tpu.vector_load %arg12[%swap3A_394] {strides = array<i32>} : memref<128xf32, #tpu.memory_space<vmem>>, vector<16xf32>,
        tpu.vector_store %arg12[%swap3A_394], %gather3A_387 {strides = array<i32>} : memref<128xf32, #tpu.memory_space<vmem>>, vector<16xf32>,
        %get3A_396 = arith.index_cast %add3A_315 : i32 to index
        %get3A_397 = arith.constant 80 : index
        %get3A_398 = tpu.vector_load %arg7[%get3A_396, %get3A_397] {strides = array<i32>} : memref<80x128xi32, #tpu.memory_space<vmem>>, vector<16xi32>,
        %get3A_399 = arith.index_cast %add3A_315 : i32 to index
        %get3A_400 = arith.constant 80 : index
        %get3A_401 = tpu.vector_load %arg8[%get3A_399, %get3A_400] {strides = array<i32>} : memref<80x128xi32, #tpu.memory_space<vmem>>, vector<16xi32>,
        %gather3A_402 = tpu.vector_load_idx %arg9[%get3A_398] : memref<10240xi32, #tpu.memory_space<vmem>>[vector<16xi32>], vector<16xi32>,
        %gather3A_403 = tpu.vector_load_idx %arg10[%get3A_398] : memref<10240xf32, #tpu.memory_space<vmem>>[vector<16xi32>], vector<16xf32>,
        %mul3A_404 = arith.constant 128 : i32
        %mul3A_405 = vector.broadcast %mul3A_404 : i32 to vector<16xi32>
        %mul3A_406 = arith.muli %get3A_401, %mul3A_405 : vector<16xi32>
        %add3A_407 = arith.addi %mul3A_406, %gather3A_402 : vector<16xi32>
        %swap3A_408 = arith.constant 80 : index
        %swap3A_409 = tpu.vector_load %arg11[%swap3A_408] {strides = array<i32>} : memref<128xi32, #tpu.memory_space<vmem>>, vector<16xi32>,
        tpu.vector_store %arg11[%swap3A_408], %add3A_407 {strides = array<i32>} : memref<128xi32, #tpu.memory_space<vmem>>, vector<16xi32>,
        %swap3A_410 = arith.constant 80 : index
        %swap3A_411 = tpu.vector_load %arg12[%swap3A_410] {strides = array<i32>} : memref<128xf32, #tpu.memory_space<vmem>>, vector<16xf32>,
        tpu.vector_store %arg12[%swap3A_410], %gather3A_403 {strides = array<i32>} : memref<128xf32, #tpu.memory_space<vmem>>, vector<16xf32>,
        %get3A_412 = arith.index_cast %add3A_315 : i32 to index
        %get3A_413 = arith.constant 96 : index
        %get3A_414 = tpu.vector_load %arg7[%get3A_412, %get3A_413] {strides = array<i32>} : memref<80x128xi32, #tpu.memory_space<vmem>>, vector<16xi32>,
        %get3A_415 = arith.index_cast %add3A_315 : i32 to index
        %get3A_416 = arith.constant 96 : index
        %get3A_417 = tpu.vector_load %arg8[%get3A_415, %get3A_416] {strides = array<i32>} : memref<80x128xi32, #tpu.memory_space<vmem>>, vector<16xi32>,
        %gather3A_418 = tpu.vector_load_idx %arg9[%get3A_414] : memref<10240xi32, #tpu.memory_space<vmem>>[vector<16xi32>], vector<16xi32>,
        %gather3A_419 = tpu.vector_load_idx %arg10[%get3A_414] : memref<10240xf32, #tpu.memory_space<vmem>>[vector<16xi32>], vector<16xf32>,
        %mul3A_420 = arith.constant 128 : i32
        %mul3A_421 = vector.broadcast %mul3A_420 : i32 to vector<16xi32>
        %mul3A_422 = arith.muli %get3A_417, %mul3A_421 : vector<16xi32>
        %add3A_423 = arith.addi %mul3A_422, %gather3A_418 : vector<16xi32>
        %swap3A_424 = arith.constant 96 : index
        %swap3A_425 = tpu.vector_load %arg11[%swap3A_424] {strides = array<i32>} : memref<128xi32, #tpu.memory_space<vmem>>, vector<16xi32>,
        tpu.vector_store %arg11[%swap3A_424], %add3A_423 {strides = array<i32>} : memref<128xi32, #tpu.memory_space<vmem>>, vector<16xi32>,
        %swap3A_426 = arith.constant 96 : index
        %swap3A_427 = tpu.vector_load %arg12[%swap3A_426] {strides = array<i32>} : memref<128xf32, #tpu.memory_space<vmem>>, vector<16xf32>,
        tpu.vector_store %arg12[%swap3A_426], %gather3A_419 {strides = array<i32>} : memref<128xf32, #tpu.memory_space<vmem>>, vector<16xf32>,
        %get3A_428 = arith.index_cast %add3A_315 : i32 to index
        %get3A_429 = arith.constant 112 : index
        %get3A_430 = tpu.vector_load %arg7[%get3A_428, %get3A_429] {strides = array<i32>} : memref<80x128xi32, #tpu.memory_space<vmem>>, vector<16xi32>,
        %get3A_431 = arith.index_cast %add3A_315 : i32 to index
        %get3A_432 = arith.constant 112 : index
        %get3A_433 = tpu.vector_load %arg8[%get3A_431, %get3A_432] {strides = array<i32>} : memref<80x128xi32, #tpu.memory_space<vmem>>, vector<16xi32>,
        %gather3A_434 = tpu.vector_load_idx %arg9[%get3A_430] : memref<10240xi32, #tpu.memory_space<vmem>>[vector<16xi32>], vector<16xi32>,
        %gather3A_435 = tpu.vector_load_idx %arg10[%get3A_430] : memref<10240xf32, #tpu.memory_space<vmem>>[vector<16xi32>], vector<16xf32>,
        %mul3A_436 = arith.constant 128 : i32
        %mul3A_437 = vector.broadcast %mul3A_436 : i32 to vector<16xi32>
        %mul3A_438 = arith.muli %get3A_433, %mul3A_437 : vector<16xi32>
        %add3A_439 = arith.addi %mul3A_438, %gather3A_434 : vector<16xi32>
        %swap3A_440 = arith.constant 112 : index
        %swap3A_441 = tpu.vector_load %arg11[%swap3A_440] {strides = array<i32>} : memref<128xi32, #tpu.memory_space<vmem>>, vector<16xi32>,
        tpu.vector_store %arg11[%swap3A_440], %add3A_439 {strides = array<i32>} : memref<128xi32, #tpu.memory_space<vmem>>, vector<16xi32>,
        %swap3A_442 = arith.constant 112 : index
        %swap3A_443 = tpu.vector_load %arg12[%swap3A_442] {strides = array<i32>} : memref<128xf32, #tpu.memory_space<vmem>>, vector<16xf32>,
        tpu.vector_store %arg12[%swap3A_442], %gather3A_435 {strides = array<i32>} : memref<128xf32, #tpu.memory_space<vmem>>, vector<16xf32>,
      } else {
      }
      %dma_wait3A_311 = arith.constant 0 : i32
      %dma_wait3A_312 = tpu.memref_slice %arg16[%dma_wait3A_311] : memref<1310720xf32, #tpu.memory_space<vmem_shared>> -> memref<1310720xf32, #tpu.memory_space<vmem_shared>>
      tpu.wait_indirect_dma semaphore(%arg17 : memref<!tpu.dma_semaphore, #tpu.memory_space<semaphore_mem>>) src(%arg14 : memref<128xf32, #tpu.memory_space<vmem>>) dst(%dma_wait3A_312 : memref<1310720xf32, #tpu.memory_space<vmem_shared>>)
      %scan3A_313 = arith.constant 0 : i32
      scf.yield %scan3A_313 : i32
    }
    %scan3A_163 = arith.constant 40 : i32
    %barrier3A_164 = arith.constant 0 : index
    tpu.barrier barrier_id(%barrier3A_164)
    %mul3A_165 = arith.constant 81920 : i32
    %mul3A_166 = arith.muli %arg1, %mul3A_165 : i32
    %mul3A_167 = arith.constant 81920 : i32
    %mul3A_168 = arith.muli %arg1, %mul3A_167 : i32
    "tpu.region"() ({
      %run_scoped3A = tpu.sem_alloc : memref<!tpu.dma_semaphore, #tpu.memory_space<semaphore_mem>>
      %dma_start3A = tpu.memref_slice %arg6[%arg0, %mul3A_168] : memref<2x1310720xf32, #tpu.memory_space<hbm>> -> memref<1x81920xf32, #tpu.memory_space<hbm>>
      %dma_start3A_169 = tpu.memref_squeeze %dma_start3A : memref<1x81920xf32, #tpu.memory_space<hbm>> -> memref<81920xf32, #tpu.memory_space<hbm>>
      %dma_start3A_170 = tpu.memref_slice %arg16[%mul3A_166] : memref<1310720xf32, #tpu.memory_space<vmem_shared>> -> memref<81920xf32, #tpu.memory_space<vmem_shared>>
      tpu.enqueue_dma source(%dma_start3A_170 : memref<81920xf32, #tpu.memory_space<vmem_shared>>) target(%dma_start3A_169 : memref<81920xf32, #tpu.memory_space<hbm>>) target_semaphore(%run_scoped3A : memref<!tpu.dma_semaphore, #tpu.memory_space<semaphore_mem>>)
      %dma_wait3A = tpu.memref_slice %arg6[%arg0, %mul3A_168] : memref<2x1310720xf32, #tpu.memory_space<hbm>> -> memref<1x81920xf32, #tpu.memory_space<hbm>>
      %dma_wait3A_171 = tpu.memref_squeeze %dma_wait3A : memref<1x81920xf32, #tpu.memory_space<hbm>> -> memref<81920xf32, #tpu.memory_space<hbm>>
      %dma_wait3A_172 = tpu.memref_slice %arg16[%mul3A_166] : memref<1310720xf32, #tpu.memory_space<vmem_shared>> -> memref<81920xf32, #tpu.memory_space<vmem_shared>>
      tpu.wait_dma2 semaphore(%run_scoped3A : memref<!tpu.dma_semaphore, #tpu.memory_space<semaphore_mem>>) src(%dma_wait3A_172 : memref<81920xf32, #tpu.memory_space<vmem_shared>>) dst(%dma_wait3A_171 : memref<81920xf32, #tpu.memory_space<hbm>>)
      tpu.yield
    }) : () -> ()
    return
  }
}

#map = affine_map<(d0, d1) -> (0, 0)>
#map1 = affine_map<(d0, d1) -> (0)>
module attributes {stable_mosaic.version = 14 : i64} {
  func.func @_degree_kernel(%arg0: i32, %arg1: i32, %arg2: memref<2600x128xi32, #tpu.memory_space<hbm>>, %arg3: memref<2600x128xi32, #tpu.memory_space<hbm>>, %arg4: memref<10240xf32, #tpu.memory_space<hbm>>, %arg5: memref<10240xf32, #tpu.memory_space<hbm>>, %arg6: memref<160x128xi32, #tpu.memory_space<vmem>>, %arg7: memref<128xf32, #tpu.memory_space<vmem>>, %arg8: memref<640xf32, #tpu.memory_space<vmem>>, %arg9: memref<10240xf32, #tpu.memory_space<vmem_shared>>, %arg10: memref<!tpu.dma_semaphore, #tpu.memory_space<semaphore_mem>>) attributes {dimension_semantics = [#tpu.dimension_semantics<core_parallel>, #tpu.dimension_semantics<subcore_parallel>], iteration_bounds = array<i64: 2, 16>, scalar_prefetch = 0 : i64, scratch_operands = 5 : i64, tpu.core_type = #tpu.core_type<sc_vector_subcore>, window_params = [{transform_indices = #map}, {transform_indices = #map}, {transform_indices = #map1}, {transform_indices = #map1}]} {
    %scan3A = arith.constant 0 : i32
    %scan3A_0 = arith.constant 0 : i32
    %scan3A_1 = arith.constant 40 : i32
    %scan3A_2 = arith.addi %scan3A_0, %scan3A_1 : i32
    %scan3A_3 = arith.constant 1 : i32
    %scan3A_4 = scf.for %scan3A_46 = %scan3A_0 to %scan3A_2 step %scan3A_3 iter_args(%scan3A_47 = %scan3A) -> (i32)  : i32 {
      %broadcast_in_dim3A = arith.constant 0.000000e+00 : f32
      %broadcast_in_dim3A_48 = vector.broadcast %broadcast_in_dim3A : f32 to vector<16xf32>
      %mul3A_49 = arith.constant 16 : i32
      %mul3A_50 = arith.muli %scan3A_46, %mul3A_49 : i32
      %swap3A = arith.index_cast %mul3A_50 : i32 to index
      %swap3A_51 = tpu.vector_load %arg8[%swap3A] {strides = array<i32>} : memref<640xf32, #tpu.memory_space<vmem>>, vector<16xf32>,
      tpu.vector_store %arg8[%swap3A], %broadcast_in_dim3A_48 {strides = array<i32>} : memref<640xf32, #tpu.memory_space<vmem>>, vector<16xf32>,
      %scan3A_52 = arith.constant 0 : i32
      scf.yield %scan3A_52 : i32
    }
    %scan3A_5 = arith.constant 40 : i32
    %scan3A_6 = arith.constant 0 : i32
    %scan3A_7 = arith.constant 0 : i32
    %scan3A_8 = arith.constant 8 : i32
    %scan3A_9 = arith.addi %scan3A_7, %scan3A_8 : i32
    %scan3A_10 = arith.constant 1 : i32
    %scan3A_11 = scf.for %scan3A_46 = %scan3A_7 to %scan3A_9 step %scan3A_10 iter_args(%scan3A_47 = %scan3A_6) -> (i32)  : i32 {
      %broadcast_in_dim3A = arith.constant 1.000000e+00 : f32
      %broadcast_in_dim3A_48 = vector.broadcast %broadcast_in_dim3A : f32 to vector<16xf32>
      %mul3A_49 = arith.constant 16 : i32
      %mul3A_50 = arith.muli %scan3A_46, %mul3A_49 : i32
      %swap3A = arith.index_cast %mul3A_50 : i32 to index
      %swap3A_51 = tpu.vector_load %arg7[%swap3A] {strides = array<i32>} : memref<128xf32, #tpu.memory_space<vmem>>, vector<16xf32>,
      tpu.vector_store %arg7[%swap3A], %broadcast_in_dim3A_48 {strides = array<i32>} : memref<128xf32, #tpu.memory_space<vmem>>, vector<16xf32>,
      %scan3A_52 = arith.constant 0 : i32
      scf.yield %scan3A_52 : i32
    }
    %scan3A_12 = arith.constant 8 : i32
    %mul3A = arith.constant 640 : i32
    %mul3A_13 = arith.muli %arg1, %mul3A : i32
    "tpu.region"() ({
      %run_scoped3A = tpu.sem_alloc : memref<!tpu.dma_semaphore, #tpu.memory_space<semaphore_mem>>
      %dma_start3A = tpu.memref_slice %arg9[%mul3A_13] : memref<10240xf32, #tpu.memory_space<vmem_shared>> -> memref<640xf32, #tpu.memory_space<vmem_shared>>
      %dma_start3A_46 = tpu.memref_slice %arg9[%mul3A_13] : memref<10240xf32, #tpu.memory_space<vmem_shared>> -> memref<640xf32, #tpu.memory_space<vmem_shared>>
      tpu.enqueue_dma source(%arg8 : memref<640xf32, #tpu.memory_space<vmem>>) target(%dma_start3A_46 : memref<640xf32, #tpu.memory_space<vmem_shared>>) target_semaphore(%run_scoped3A : memref<!tpu.dma_semaphore, #tpu.memory_space<semaphore_mem>>)
      %dma_wait3A = tpu.memref_slice %arg9[%mul3A_13] : memref<10240xf32, #tpu.memory_space<vmem_shared>> -> memref<640xf32, #tpu.memory_space<vmem_shared>>
      %dma_wait3A_47 = tpu.memref_slice %arg9[%mul3A_13] : memref<10240xf32, #tpu.memory_space<vmem_shared>> -> memref<640xf32, #tpu.memory_space<vmem_shared>>
      tpu.wait_dma2 semaphore(%run_scoped3A : memref<!tpu.dma_semaphore, #tpu.memory_space<semaphore_mem>>) src(%arg8 : memref<640xf32, #tpu.memory_space<vmem>>) dst(%dma_wait3A_47 : memref<640xf32, #tpu.memory_space<vmem_shared>>)
      tpu.yield
    }) : () -> ()
    %eq3A = arith.constant 0 : i32
    %eq3A_14 = arith.cmpi eq, %arg0, %eq3A : i32
    %convert_element_type3A = arith.extui %eq3A_14 : i1 to i32
    %cond3A = arith.constant 0 : i32
    %cond3A_15 = arith.cmpi ne, %convert_element_type3A, %cond3A : i32
    scf.if %cond3A_15 {
      %mul3A_46 = arith.constant 160 : i32
      %mul3A_47 = arith.muli %arg1, %mul3A_46 : i32
      "tpu.region"() ({
        %run_scoped3A = tpu.sem_alloc : memref<!tpu.dma_semaphore, #tpu.memory_space<semaphore_mem>>
        %dma_start3A = arith.constant 0 : i32
        %dma_start3A_48 = tpu.memref_slice %arg2[%mul3A_47, %dma_start3A] : memref<2600x128xi32, #tpu.memory_space<hbm>> -> memref<160x128xi32, #tpu.memory_space<hbm>>
        %dma_start3A_49 = arith.constant 0 : i32
        %dma_start3A_50 = tpu.memref_slice %arg2[%mul3A_47, %dma_start3A_49] : memref<2600x128xi32, #tpu.memory_space<hbm>> -> memref<160x128xi32, #tpu.memory_space<hbm>>
        tpu.enqueue_dma source(%dma_start3A_50 : memref<160x128xi32, #tpu.memory_space<hbm>>) target(%arg6 : memref<160x128xi32, #tpu.memory_space<vmem>>) target_semaphore(%run_scoped3A : memref<!tpu.dma_semaphore, #tpu.memory_space<semaphore_mem>>)
        %dma_wait3A = arith.constant 0 : i32
        %dma_wait3A_51 = tpu.memref_slice %arg2[%mul3A_47, %dma_wait3A] : memref<2600x128xi32, #tpu.memory_space<hbm>> -> memref<160x128xi32, #tpu.memory_space<hbm>>
        %dma_wait3A_52 = arith.constant 0 : i32
        %dma_wait3A_53 = tpu.memref_slice %arg2[%mul3A_47, %dma_wait3A_52] : memref<2600x128xi32, #tpu.memory_space<hbm>> -> memref<160x128xi32, #tpu.memory_space<hbm>>
        tpu.wait_dma2 semaphore(%run_scoped3A : memref<!tpu.dma_semaphore, #tpu.memory_space<semaphore_mem>>) src(%dma_wait3A_53 : memref<160x128xi32, #tpu.memory_space<hbm>>) dst(%arg6 : memref<160x128xi32, #tpu.memory_space<vmem>>)
        tpu.yield
      }) : () -> ()
    } else {
    }
    %eq3A_16 = arith.constant 1 : i32
    %eq3A_17 = arith.cmpi eq, %arg0, %eq3A_16 : i32
    %convert_element_type3A_18 = arith.extui %eq3A_17 : i1 to i32
    %cond3A_19 = arith.constant 0 : i32
    %cond3A_20 = arith.cmpi ne, %convert_element_type3A_18, %cond3A_19 : i32
    scf.if %cond3A_20 {
      %mul3A_46 = arith.constant 160 : i32
      %mul3A_47 = arith.muli %arg1, %mul3A_46 : i32
      "tpu.region"() ({
        %run_scoped3A = tpu.sem_alloc : memref<!tpu.dma_semaphore, #tpu.memory_space<semaphore_mem>>
        %dma_start3A = arith.constant 0 : i32
        %dma_start3A_48 = tpu.memref_slice %arg3[%mul3A_47, %dma_start3A] : memref<2600x128xi32, #tpu.memory_space<hbm>> -> memref<160x128xi32, #tpu.memory_space<hbm>>
        %dma_start3A_49 = arith.constant 0 : i32
        %dma_start3A_50 = tpu.memref_slice %arg3[%mul3A_47, %dma_start3A_49] : memref<2600x128xi32, #tpu.memory_space<hbm>> -> memref<160x128xi32, #tpu.memory_space<hbm>>
        tpu.enqueue_dma source(%dma_start3A_50 : memref<160x128xi32, #tpu.memory_space<hbm>>) target(%arg6 : memref<160x128xi32, #tpu.memory_space<vmem>>) target_semaphore(%run_scoped3A : memref<!tpu.dma_semaphore, #tpu.memory_space<semaphore_mem>>)
        %dma_wait3A = arith.constant 0 : i32
        %dma_wait3A_51 = tpu.memref_slice %arg3[%mul3A_47, %dma_wait3A] : memref<2600x128xi32, #tpu.memory_space<hbm>> -> memref<160x128xi32, #tpu.memory_space<hbm>>
        %dma_wait3A_52 = arith.constant 0 : i32
        %dma_wait3A_53 = tpu.memref_slice %arg3[%mul3A_47, %dma_wait3A_52] : memref<2600x128xi32, #tpu.memory_space<hbm>> -> memref<160x128xi32, #tpu.memory_space<hbm>>
        tpu.wait_dma2 semaphore(%run_scoped3A : memref<!tpu.dma_semaphore, #tpu.memory_space<semaphore_mem>>) src(%dma_wait3A_53 : memref<160x128xi32, #tpu.memory_space<hbm>>) dst(%arg6 : memref<160x128xi32, #tpu.memory_space<vmem>>)
        tpu.yield
      }) : () -> ()
    } else {
    }
    %barrier3A = arith.constant 0 : index
    tpu.barrier barrier_id(%barrier3A)
    %scan3A_21 = arith.constant 0 : i32
    %scan3A_22 = arith.constant 0 : i32
    %scan3A_23 = arith.constant 160 : i32
    %scan3A_24 = arith.addi %scan3A_22, %scan3A_23 : i32
    %scan3A_25 = arith.constant 1 : i32
    %scan3A_26 = scf.for %scan3A_46 = %scan3A_22 to %scan3A_24 step %scan3A_25 iter_args(%scan3A_47 = %scan3A_21) -> (i32)  : i32 {
      %dma_start3A = arith.constant 0 : i32
      %dma_start3A_48 = tpu.memref_slice %arg6[%scan3A_46, %dma_start3A] : memref<160x128xi32, #tpu.memory_space<vmem>> -> memref<1x128xi32, #tpu.memory_space<vmem>>
      %dma_start3A_49 = tpu.memref_squeeze %dma_start3A_48 : memref<1x128xi32, #tpu.memory_space<vmem>> -> memref<128xi32, #tpu.memory_space<vmem>>
      %dma_start3A_50 = arith.constant 0 : i32
      %dma_start3A_51 = tpu.memref_slice %arg9[%dma_start3A_50] : memref<10240xf32, #tpu.memory_space<vmem_shared>> -> memref<10240xf32, #tpu.memory_space<vmem_shared>>
      tpu.enqueue_indirect_dma source(%arg7 : memref<128xf32, #tpu.memory_space<vmem>>) target(%dma_start3A_51 : memref<10240xf32, #tpu.memory_space<vmem_shared>>) offsets(%dma_start3A_49 : memref<128xi32, #tpu.memory_space<vmem>>) semaphore(%arg10 : memref<!tpu.dma_semaphore, #tpu.memory_space<semaphore_mem>>) {add = true}
      %scan3A_52 = arith.constant 0 : i32
      scf.yield %scan3A_52 : i32
    }
    %scan3A_27 = arith.constant 160 : i32
    %scan3A_28 = arith.constant 0 : i32
    %scan3A_29 = arith.constant 0 : i32
    %scan3A_30 = arith.constant 160 : i32
    %scan3A_31 = arith.addi %scan3A_29, %scan3A_30 : i32
    %scan3A_32 = arith.constant 1 : i32
    %scan3A_33 = scf.for %scan3A_46 = %scan3A_29 to %scan3A_31 step %scan3A_32 iter_args(%scan3A_47 = %scan3A_28) -> (i32)  : i32 {
      %dma_wait3A = arith.constant 0 : i32
      %dma_wait3A_48 = tpu.memref_slice %arg6[%scan3A_46, %dma_wait3A] : memref<160x128xi32, #tpu.memory_space<vmem>> -> memref<1x128xi32, #tpu.memory_space<vmem>>
      %dma_wait3A_49 = tpu.memref_squeeze %dma_wait3A_48 : memref<1x128xi32, #tpu.memory_space<vmem>> -> memref<128xi32, #tpu.memory_space<vmem>>
      %dma_wait3A_50 = arith.constant 0 : i32
      %dma_wait3A_51 = tpu.memref_slice %arg9[%dma_wait3A_50] : memref<10240xf32, #tpu.memory_space<vmem_shared>> -> memref<10240xf32, #tpu.memory_space<vmem_shared>>
      tpu.wait_indirect_dma semaphore(%arg10 : memref<!tpu.dma_semaphore, #tpu.memory_space<semaphore_mem>>) src(%arg7 : memref<128xf32, #tpu.memory_space<vmem>>) dst(%dma_wait3A_51 : memref<10240xf32, #tpu.memory_space<vmem_shared>>)
      %scan3A_52 = arith.constant 0 : i32
      scf.yield %scan3A_52 : i32
    }
    %scan3A_34 = arith.constant 160 : i32
    %barrier3A_35 = arith.constant 0 : index
    tpu.barrier barrier_id(%barrier3A_35)
    %eq3A_36 = arith.constant 0 : i32
    %eq3A_37 = arith.cmpi eq, %arg0, %eq3A_36 : i32
    %convert_element_type3A_38 = arith.extui %eq3A_37 : i1 to i32
    %cond3A_39 = arith.constant 0 : i32
    %cond3A_40 = arith.cmpi ne, %convert_element_type3A_38, %cond3A_39 : i32
    scf.if %cond3A_40 {
      %mul3A_46 = arith.constant 640 : i32
      %mul3A_47 = arith.muli %arg1, %mul3A_46 : i32
      %mul3A_48 = arith.constant 640 : i32
      %mul3A_49 = arith.muli %arg1, %mul3A_48 : i32
      "tpu.region"() ({
        %run_scoped3A = tpu.sem_alloc : memref<!tpu.dma_semaphore, #tpu.memory_space<semaphore_mem>>
        %dma_start3A = tpu.memref_slice %arg4[%mul3A_49] : memref<10240xf32, #tpu.memory_space<hbm>> -> memref<640xf32, #tpu.memory_space<hbm>>
        %dma_start3A_50 = tpu.memref_slice %arg9[%mul3A_47] : memref<10240xf32, #tpu.memory_space<vmem_shared>> -> memref<640xf32, #tpu.memory_space<vmem_shared>>
        tpu.enqueue_dma source(%dma_start3A_50 : memref<640xf32, #tpu.memory_space<vmem_shared>>) target(%dma_start3A : memref<640xf32, #tpu.memory_space<hbm>>) target_semaphore(%run_scoped3A : memref<!tpu.dma_semaphore, #tpu.memory_space<semaphore_mem>>)
        %dma_wait3A = tpu.memref_slice %arg4[%mul3A_49] : memref<10240xf32, #tpu.memory_space<hbm>> -> memref<640xf32, #tpu.memory_space<hbm>>
        %dma_wait3A_51 = tpu.memref_slice %arg9[%mul3A_47] : memref<10240xf32, #tpu.memory_space<vmem_shared>> -> memref<640xf32, #tpu.memory_space<vmem_shared>>
        tpu.wait_dma2 semaphore(%run_scoped3A : memref<!tpu.dma_semaphore, #tpu.memory_space<semaphore_mem>>) src(%dma_wait3A_51 : memref<640xf32, #tpu.memory_space<vmem_shared>>) dst(%dma_wait3A : memref<640xf32, #tpu.memory_space<hbm>>)
        tpu.yield
      }) : () -> ()
    } else {
    }
    %eq3A_41 = arith.constant 1 : i32
    %eq3A_42 = arith.cmpi eq, %arg0, %eq3A_41 : i32
    %convert_element_type3A_43 = arith.extui %eq3A_42 : i1 to i32
    %cond3A_44 = arith.constant 0 : i32
    %cond3A_45 = arith.cmpi ne, %convert_element_type3A_43, %cond3A_44 : i32
    scf.if %cond3A_45 {
      %mul3A_46 = arith.constant 640 : i32
      %mul3A_47 = arith.muli %arg1, %mul3A_46 : i32
      %mul3A_48 = arith.constant 640 : i32
      %mul3A_49 = arith.muli %arg1, %mul3A_48 : i32
      "tpu.region"() ({
        %run_scoped3A = tpu.sem_alloc : memref<!tpu.dma_semaphore, #tpu.memory_space<semaphore_mem>>
        %dma_start3A = tpu.memref_slice %arg5[%mul3A_49] : memref<10240xf32, #tpu.memory_space<hbm>> -> memref<640xf32, #tpu.memory_space<hbm>>
        %dma_start3A_50 = tpu.memref_slice %arg9[%mul3A_47] : memref<10240xf32, #tpu.memory_space<vmem_shared>> -> memref<640xf32, #tpu.memory_space<vmem_shared>>
        tpu.enqueue_dma source(%dma_start3A_50 : memref<640xf32, #tpu.memory_space<vmem_shared>>) target(%dma_start3A : memref<640xf32, #tpu.memory_space<hbm>>) target_semaphore(%run_scoped3A : memref<!tpu.dma_semaphore, #tpu.memory_space<semaphore_mem>>)
        %dma_wait3A = tpu.memref_slice %arg5[%mul3A_49] : memref<10240xf32, #tpu.memory_space<hbm>> -> memref<640xf32, #tpu.memory_space<hbm>>
        %dma_wait3A_51 = tpu.memref_slice %arg9[%mul3A_47] : memref<10240xf32, #tpu.memory_space<vmem_shared>> -> memref<640xf32, #tpu.memory_space<vmem_shared>>
        tpu.wait_dma2 semaphore(%run_scoped3A : memref<!tpu.dma_semaphore, #tpu.memory_space<semaphore_mem>>) src(%dma_wait3A_51 : memref<640xf32, #tpu.memory_space<vmem_shared>>) dst(%dma_wait3A : memref<640xf32, #tpu.memory_space<hbm>>)
        tpu.yield
      }) : () -> ()
    } else {
    }
    return
  }
}

module attributes {stable_mosaic.version = 14 : i64} {
  func.func @_prep_body(%arg0: memref<80x128xf32, #tpu.memory_space<vmem>>, %arg1: memref<80x128xf32, #tpu.memory_space<vmem>>, %arg2: memref<128x128xf32, #tpu.memory_space<vmem>>, %arg3: memref<128x128xf32, #tpu.memory_space<vmem>>, %arg4: memref<80x128xf32, #tpu.memory_space<vmem>>, %arg5: memref<80x128xf32, #tpu.memory_space<vmem>>, %arg6: memref<128x128xf32, #tpu.memory_space<vmem>>) attributes {dimension_semantics = [], scalar_prefetch = 0 : i64, scratch_operands = 0 : i64, tpu.core_type = #tpu.core_type<tc>} {
    %get3A = arith.constant 0 : index
    %get3A_0 = arith.constant 0 : index
    %get3A_1 = vector.load %arg0[%get3A, %get3A_0] : memref<80x128xf32, #tpu.memory_space<vmem>>, vector<80x128xf32>
    %get3A_2 = arith.constant 0 : index
    %get3A_3 = arith.constant 0 : index
    %get3A_4 = vector.load %arg1[%get3A_2, %get3A_3] : memref<80x128xf32, #tpu.memory_space<vmem>>, vector<80x128xf32>
    %gt3A = arith.constant 0.000000e+00 : f32
    %gt3A_5 = vector.broadcast %gt3A : f32 to vector<80x128xf32>
    %gt3A_6 = arith.cmpf ogt, %get3A_1, %gt3A_5 : vector<80x128xf32>
    %rsqrt3A = math.rsqrt %get3A_1 : vector<80x128xf32>
    %jit3A = arith.constant 0.000000e+00 : f32
    %broadcast_in_dim3A = vector.broadcast %jit3A : f32 to vector<80x128xf32>
    %select_n3A = arith.select %gt3A_6, %rsqrt3A, %broadcast_in_dim3A : vector<80x128xi1>, vector<80x128xf32>
    %swap3A = arith.constant 0 : index
    %swap3A_7 = arith.constant 0 : index
    %swap3A_8 = vector.load %arg4[%swap3A, %swap3A_7] : memref<80x128xf32, #tpu.memory_space<vmem>>, vector<80x128xf32>
    tpu.vector_store %arg4[%swap3A, %swap3A_7], %select_n3A {strides = array<i32>} : memref<80x128xf32, #tpu.memory_space<vmem>>, vector<80x128xf32>,
    %gt3A_9 = arith.constant 0.000000e+00 : f32
    %gt3A_10 = vector.broadcast %gt3A_9 : f32 to vector<80x128xf32>
    %gt3A_11 = arith.cmpf ogt, %get3A_4, %gt3A_10 : vector<80x128xf32>
    %rsqrt3A_12 = math.rsqrt %get3A_4 : vector<80x128xf32>
    %jit3A_13 = arith.constant 0.000000e+00 : f32
    %broadcast_in_dim3A_14 = vector.broadcast %jit3A_13 : f32 to vector<80x128xf32>
    %select_n3A_15 = arith.select %gt3A_11, %rsqrt3A_12, %broadcast_in_dim3A_14 : vector<80x128xi1>, vector<80x128xf32>
    %swap3A_16 = arith.constant 0 : index
    %swap3A_17 = arith.constant 0 : index
    %swap3A_18 = vector.load %arg5[%swap3A_16, %swap3A_17] : memref<80x128xf32, #tpu.memory_space<vmem>>, vector<80x128xf32>
    tpu.vector_store %arg5[%swap3A_16, %swap3A_17], %select_n3A_15 {strides = array<i32>} : memref<80x128xf32, #tpu.memory_space<vmem>>, vector<80x128xf32>,
    %get3A_19 = arith.constant 0 : index
    %get3A_20 = arith.constant 0 : index
    %get3A_21 = vector.load %arg2[%get3A_19, %get3A_20] : memref<128x128xf32, #tpu.memory_space<vmem>>, vector<128x128xf32>
    %get3A_22 = arith.constant 0 : index
    %get3A_23 = arith.constant 0 : index
    %get3A_24 = vector.load %arg3[%get3A_22, %get3A_23] : memref<128x128xf32, #tpu.memory_space<vmem>>, vector<128x128xf32>
    %dot_general3A = arith.constant dense<0.000000e+00> : vector<128x128xf32>
    %dot_general3A_25 = tpu.matmul %get3A_21, %get3A_24, %dot_general3A {dimension_numbers = #tpu.dot_dimension_numbers<[1], [0], [0], [1], [0, 0, 1, 1], [], []>, transpose_lhs_hint = false} : vector<128x128xf32>, vector<128x128xf32>, vector<128x128xf32> -> vector<128x128xf32>
    %swap3A_26 = arith.constant 0 : index
    %swap3A_27 = arith.constant 0 : index
    %swap3A_28 = vector.load %arg6[%swap3A_26, %swap3A_27] : memref<128x128xf32, #tpu.memory_space<vmem>>, vector<128x128xf32>
    tpu.vector_store %arg6[%swap3A_26, %swap3A_27], %dot_general3A_25 {strides = array<i32>} : memref<128x128xf32, #tpu.memory_space<vmem>>, vector<128x128xf32>,
    return
  }
}

module attributes {stable_mosaic.version = 14 : i64} {
  func.func @_final_body(%arg0: i32, %arg1: memref<2x1024x128xf32, #tpu.memory_space<vmem>>, %arg2: memref<128x128xf32, #tpu.memory_space<vmem>>, %arg3: memref<1x128xf32, #tpu.memory_space<vmem>>, %arg4: memref<1024x1xf32, #tpu.memory_space<vmem>>, %arg5: memref<8x128xf32, #tpu.memory_space<vmem>>) attributes {dimension_semantics = [#tpu.dimension_semantics<arbitrary>], iteration_bounds = array<i64: 10>, scalar_prefetch = 0 : i64, scratch_operands = 0 : i64, tpu.core_type = #tpu.core_type<tc>, window_params = [{transform_indices = @transform_0, window_bounds = array<i64: 2, 1024, 128>}, {pipeline_mode = #tpu.pipeline_mode<synchronous>, transform_indices = @transform_1, window_bounds = array<i64: 128, 128>}, {pipeline_mode = #tpu.pipeline_mode<synchronous>, transform_indices = @transform_2, window_bounds = array<i64: 1, 128>}, {transform_indices = @transform_3, window_bounds = array<i64: 1024, 1>}, {pipeline_mode = #tpu.pipeline_mode<synchronous>, transform_indices = @transform_4, window_bounds = array<i64: 8, 128>}]} {
    %eq3A = arith.constant 0 : i32
    %eq3A_0 = arith.cmpi eq, %arg0, %eq3A : i32
    %convert_element_type3A = arith.extui %eq3A_0 : i1 to i32
    %cond3A = arith.constant 0 : i32
    %cond3A_1 = arith.cmpi ne, %convert_element_type3A, %cond3A : i32
    scf.if %cond3A_1 {
      %broadcast_in_dim3A_46 = arith.constant 0.000000e+00 : f32
      %broadcast_in_dim3A_47 = vector.broadcast %broadcast_in_dim3A_46 : f32 to vector<8x128xf32>
      %swap3A_48 = arith.constant 0 : index
      %swap3A_49 = arith.constant 0 : index
      %swap3A_50 = vector.load %arg5[%swap3A_48, %swap3A_49] : memref<8x128xf32, #tpu.memory_space<vmem>>, vector<8x128xf32>
      tpu.vector_store %arg5[%swap3A_48, %swap3A_49], %broadcast_in_dim3A_47 {strides = array<i32>} : memref<8x128xf32, #tpu.memory_space<vmem>>, vector<8x128xf32>,
    } else {
    }
    %get3A = arith.constant 0 : index
    %get3A_2 = arith.constant 0 : index
    %get3A_3 = arith.constant 0 : index
    %get3A_4 = vector.load %arg1[%get3A, %get3A_2, %get3A_3] : memref<2x1024x128xf32, #tpu.memory_space<vmem>>, vector<1x1024x128xf32>
    %get3A_5 = vector.shape_cast %get3A_4 : vector<1x1024x128xf32> to vector<1024x128xf32>
    %get3A_6 = arith.constant 1 : index
    %get3A_7 = arith.constant 0 : index
    %get3A_8 = arith.constant 0 : index
    %get3A_9 = vector.load %arg1[%get3A_6, %get3A_7, %get3A_8] : memref<2x1024x128xf32, #tpu.memory_space<vmem>>, vector<1x1024x128xf32>
    %get3A_10 = vector.shape_cast %get3A_9 : vector<1x1024x128xf32> to vector<1024x128xf32>
    %add3A = arith.addf %get3A_5, %get3A_10 : vector<1024x128xf32>
    %get3A_11 = arith.constant 0 : index
    %get3A_12 = arith.constant 0 : index
    %get3A_13 = vector.load %arg4[%get3A_11, %get3A_12] : memref<1024x1xf32, #tpu.memory_space<vmem>>, vector<1024x1xf32>
    %mul3A = vector.broadcast %get3A_13 : vector<1024x1xf32> to vector<1024x128xf32>
    %mul3A_14 = arith.mulf %mul3A, %add3A : vector<1024x128xf32>
    %get3A_15 = arith.constant 0 : index
    %get3A_16 = arith.constant 0 : index
    %get3A_17 = vector.load %arg2[%get3A_15, %get3A_16] : memref<128x128xf32, #tpu.memory_space<vmem>>, vector<128x128xf32>
    %dot_general3A = arith.constant dense<0.000000e+00> : vector<1024x128xf32>
    %dot_general3A_18 = tpu.matmul %mul3A_14, %get3A_17, %dot_general3A {dimension_numbers = #tpu.dot_dimension_numbers<[1], [0], [0], [1], [0, 0, 1, 1], [], []>, transpose_lhs_hint = false} : vector<1024x128xf32>, vector<128x128xf32>, vector<1024x128xf32> -> vector<1024x128xf32>
    %get3A_19 = arith.constant 0 : index
    %get3A_20 = arith.constant 0 : index
    %get3A_21 = vector.load %arg3[%get3A_19, %get3A_20] : memref<1x128xf32, #tpu.memory_space<vmem>>, vector<1x128xf32>
    %add3A_22 = vector.broadcast %get3A_21 : vector<1x128xf32> to vector<1024x128xf32>
    %add3A_23 = arith.addf %dot_general3A_18, %add3A_22 : vector<1024x128xf32>
    %max3A = arith.constant 0.000000e+00 : f32
    %max3A_24 = vector.broadcast %max3A : f32 to vector<1024x128xf32>
    %max3A_25 = arith.maximumf %add3A_23, %max3A_24 : vector<1024x128xf32>
    %mul3A_26 = arith.constant 1024 : i32
    %mul3A_27 = arith.muli %arg0, %mul3A_26 : i32
    %iota3A = tpu.iota {dimensions = array<i32: 0>} : vector<1024x1xi32>
    %add3A_28 = vector.broadcast %mul3A_27 : i32 to vector<1024x1xi32>
    %add3A_29 = arith.addi %add3A_28, %iota3A : vector<1024x1xi32>
    %lt3A = arith.constant 10000 : i32
    %lt3A_30 = vector.broadcast %lt3A : i32 to vector<1024x1xi32>
    %lt3A_31 = arith.cmpi slt, %add3A_29, %lt3A_30 : vector<1024x1xi32>
    %jit3A = arith.constant 0.000000e+00 : f32
    %broadcast_in_dim3A = vector.shape_cast %lt3A_31 : vector<1024x1xi1> to vector<1024x1xi1>
    %broadcast_in_dim3A_32 = vector.broadcast %broadcast_in_dim3A : vector<1024x1xi1> to vector<1024x128xi1>
    %broadcast_in_dim3A_33 = vector.broadcast %jit3A : f32 to vector<1024x128xf32>
    %select_n3A = arith.select %broadcast_in_dim3A_32, %max3A_25, %broadcast_in_dim3A_33 : vector<1024x128xi1>, vector<1024x128xf32>
    %get3A_34 = arith.constant 0 : index
    %get3A_35 = arith.constant 0 : index
    %get3A_36 = vector.load %arg5[%get3A_34, %get3A_35] : memref<8x128xf32, #tpu.memory_space<vmem>>, vector<8x128xf32>
    %reshape3A = vector.shape_cast %select_n3A : vector<1024x128xf32> to vector<128x8x128xf32>
    %reduce_sum3A = arith.constant dense<0.000000e+00> : vector<8x128xf32>
    %reduce_sum3A_37 = vector.multi_reduction <add>, %reshape3A, %reduce_sum3A [0] : vector<128x8x128xf32> to vector<8x128xf32>
    %add3A_38 = arith.addf %get3A_36, %reduce_sum3A_37 : vector<8x128xf32>
    %swap3A = arith.constant 0 : index
    %swap3A_39 = arith.constant 0 : index
    %swap3A_40 = vector.load %arg5[%swap3A, %swap3A_39] : memref<8x128xf32, #tpu.memory_space<vmem>>, vector<8x128xf32>
    tpu.vector_store %arg5[%swap3A, %swap3A_39], %add3A_38 {strides = array<i32>} : memref<8x128xf32, #tpu.memory_space<vmem>>, vector<8x128xf32>,
    %eq3A_41 = arith.constant 9 : i32
    %eq3A_42 = arith.cmpi eq, %arg0, %eq3A_41 : i32
    %convert_element_type3A_43 = arith.extui %eq3A_42 : i1 to i32
    %cond3A_44 = arith.constant 0 : i32
    %cond3A_45 = arith.cmpi ne, %convert_element_type3A_43, %cond3A_44 : i32
    scf.if %cond3A_45 {
      %get3A_46 = arith.constant 0 : index
      %get3A_47 = arith.constant 0 : index
      %get3A_48 = vector.load %arg5[%get3A_46, %get3A_47] : memref<8x128xf32, #tpu.memory_space<vmem>>, vector<8x128xf32>
      %reduce_sum3A_49 = arith.constant dense<0.000000e+00> : vector<128xf32>
      %reduce_sum3A_50 = vector.multi_reduction <add>, %get3A_48, %reduce_sum3A_49 [0] : vector<8x128xf32> to vector<128xf32>
      %broadcast_in_dim3A_51 = vector.shape_cast %reduce_sum3A_50 : vector<128xf32> to vector<1x128xf32>
      %mul3A_52 = arith.constant 9.99999974E-5 : f32
      %mul3A_53 = vector.broadcast %mul3A_52 : f32 to vector<1x128xf32>
      %mul3A_54 = arith.mulf %broadcast_in_dim3A_51, %mul3A_53 : vector<1x128xf32>
      %broadcast_in_dim3A_55 = vector.shape_cast %mul3A_54 : vector<1x128xf32> to vector<1x128xf32>
      %broadcast_in_dim3A_56 = vector.broadcast %broadcast_in_dim3A_55 : vector<1x128xf32> to vector<8x128xf32>
      %swap3A_57 = arith.constant 0 : index
      %swap3A_58 = arith.constant 0 : index
      %swap3A_59 = vector.load %arg5[%swap3A_57, %swap3A_58] : memref<8x128xf32, #tpu.memory_space<vmem>>, vector<8x128xf32>
      tpu.vector_store %arg5[%swap3A_57, %swap3A_58], %broadcast_in_dim3A_56 {strides = array<i32>} : memref<8x128xf32, #tpu.memory_space<vmem>>, vector<8x128xf32>,
    } else {
    }
    return
  }
  func.func @transform_0(%arg0: i32) -> (i32, i32, i32) {
    %c0_i32 = arith.constant 0 : i32
    %c0_i32_0 = arith.constant 0 : i32
    %c0_i32_1 = arith.constant 0 : i32
    return %c0_i32, %arg0, %c0_i32_0 : i32, i32, i32
  }
  func.func @transform_1(%arg0: i32) -> (i32, i32) {
    %c0_i32 = arith.constant 0 : i32
    %c0_i32_0 = arith.constant 0 : i32
    %c0_i32_1 = arith.constant 0 : i32
    return %c0_i32, %c0_i32_0 : i32, i32
  }
  func.func @transform_2(%arg0: i32) -> (i32, i32) {
    %c0_i32 = arith.constant 0 : i32
    %c0_i32_0 = arith.constant 0 : i32
    %c0_i32_1 = arith.constant 0 : i32
    return %c0_i32, %c0_i32_0 : i32, i32
  }
  func.func @transform_3(%arg0: i32) -> (i32, i32) {
    %c0_i32 = arith.constant 0 : i32
    %c0_i32_0 = arith.constant 0 : i32
    return %arg0, %c0_i32 : i32, i32
  }
  func.func @transform_4(%arg0: i32) -> (i32, i32) {
    %c0_i32 = arith.constant 0 : i32
    %c0_i32_0 = arith.constant 0 : i32
    %c0_i32_1 = arith.constant 0 : i32
    return %c0_i32, %c0_i32_0 : i32, i32
  }
}

module attributes {stable_mosaic.version = 14 : i64} {
  func.func @_h1_body(%arg0: i32, %arg1: memref<2x1024x128xf32, #tpu.memory_space<vmem>>, %arg2: memref<128x128xf32, #tpu.memory_space<vmem>>, %arg3: memref<1x128xf32, #tpu.memory_space<vmem>>, %arg4: memref<1024x1xf32, #tpu.memory_space<vmem>>, %arg5: memref<1024x1xf32, #tpu.memory_space<vmem>>, %arg6: memref<1024x128xf32, #tpu.memory_space<vmem>>) attributes {dimension_semantics = [#tpu.dimension_semantics<arbitrary>], iteration_bounds = array<i64: 10>, scalar_prefetch = 0 : i64, scratch_operands = 0 : i64, tpu.core_type = #tpu.core_type<tc>, window_params = [{transform_indices = @transform_0, window_bounds = array<i64: 2, 1024, 128>}, {pipeline_mode = #tpu.pipeline_mode<synchronous>, transform_indices = @transform_1, window_bounds = array<i64: 128, 128>}, {pipeline_mode = #tpu.pipeline_mode<synchronous>, transform_indices = @transform_2, window_bounds = array<i64: 1, 128>}, {transform_indices = @transform_3, window_bounds = array<i64: 1024, 1>}, {transform_indices = @transform_4, window_bounds = array<i64: 1024, 1>}, {transform_indices = @transform_5, window_bounds = array<i64: 1024, 128>}]} {
    %get3A = arith.constant 0 : index
    %get3A_0 = arith.constant 0 : index
    %get3A_1 = arith.constant 0 : index
    %get3A_2 = vector.load %arg1[%get3A, %get3A_0, %get3A_1] : memref<2x1024x128xf32, #tpu.memory_space<vmem>>, vector<1x1024x128xf32>
    %get3A_3 = vector.shape_cast %get3A_2 : vector<1x1024x128xf32> to vector<1024x128xf32>
    %get3A_4 = arith.constant 1 : index
    %get3A_5 = arith.constant 0 : index
    %get3A_6 = arith.constant 0 : index
    %get3A_7 = vector.load %arg1[%get3A_4, %get3A_5, %get3A_6] : memref<2x1024x128xf32, #tpu.memory_space<vmem>>, vector<1x1024x128xf32>
    %get3A_8 = vector.shape_cast %get3A_7 : vector<1x1024x128xf32> to vector<1024x128xf32>
    %add3A = arith.addf %get3A_3, %get3A_8 : vector<1024x128xf32>
    %get3A_9 = arith.constant 0 : index
    %get3A_10 = arith.constant 0 : index
    %get3A_11 = vector.load %arg5[%get3A_9, %get3A_10] : memref<1024x1xf32, #tpu.memory_space<vmem>>, vector<1024x1xf32>
    %get3A_12 = arith.constant 0 : index
    %get3A_13 = arith.constant 0 : index
    %get3A_14 = vector.load %arg2[%get3A_12, %get3A_13] : memref<128x128xf32, #tpu.memory_space<vmem>>, vector<128x128xf32>
    %dot_general3A = arith.constant dense<0.000000e+00> : vector<1024x128xf32>
    %dot_general3A_15 = tpu.matmul %add3A, %get3A_14, %dot_general3A {dimension_numbers = #tpu.dot_dimension_numbers<[1], [0], [0], [1], [0, 0, 1, 1], [], []>, transpose_lhs_hint = false} : vector<1024x128xf32>, vector<128x128xf32>, vector<1024x128xf32> -> vector<1024x128xf32>
    %mul3A = vector.broadcast %get3A_11 : vector<1024x1xf32> to vector<1024x128xf32>
    %mul3A_16 = arith.mulf %mul3A, %dot_general3A_15 : vector<1024x128xf32>
    %get3A_17 = arith.constant 0 : index
    %get3A_18 = arith.constant 0 : index
    %get3A_19 = vector.load %arg3[%get3A_17, %get3A_18] : memref<1x128xf32, #tpu.memory_space<vmem>>, vector<1x128xf32>
    %add3A_20 = vector.broadcast %get3A_19 : vector<1x128xf32> to vector<1024x128xf32>
    %add3A_21 = arith.addf %mul3A_16, %add3A_20 : vector<1024x128xf32>
    %get3A_22 = arith.constant 0 : index
    %get3A_23 = arith.constant 0 : index
    %get3A_24 = vector.load %arg4[%get3A_22, %get3A_23] : memref<1024x1xf32, #tpu.memory_space<vmem>>, vector<1024x1xf32>
    %max3A = arith.constant 0.000000e+00 : f32
    %max3A_25 = vector.broadcast %max3A : f32 to vector<1024x128xf32>
    %max3A_26 = arith.maximumf %add3A_21, %max3A_25 : vector<1024x128xf32>
    %mul3A_27 = vector.broadcast %get3A_24 : vector<1024x1xf32> to vector<1024x128xf32>
    %mul3A_28 = arith.mulf %mul3A_27, %max3A_26 : vector<1024x128xf32>
    %swap3A = arith.constant 0 : index
    %swap3A_29 = arith.constant 0 : index
    %swap3A_30 = vector.load %arg6[%swap3A, %swap3A_29] : memref<1024x128xf32, #tpu.memory_space<vmem>>, vector<1024x128xf32>
    tpu.vector_store %arg6[%swap3A, %swap3A_29], %mul3A_28 {strides = array<i32>} : memref<1024x128xf32, #tpu.memory_space<vmem>>, vector<1024x128xf32>,
    return
  }
  func.func @transform_0(%arg0: i32) -> (i32, i32, i32) {
    %c0_i32 = arith.constant 0 : i32
    %c0_i32_0 = arith.constant 0 : i32
    %c0_i32_1 = arith.constant 0 : i32
    return %c0_i32, %arg0, %c0_i32_0 : i32, i32, i32
  }
  func.func @transform_1(%arg0: i32) -> (i32, i32) {
    %c0_i32 = arith.constant 0 : i32
    %c0_i32_0 = arith.constant 0 : i32
    %c0_i32_1 = arith.constant 0 : i32
    return %c0_i32, %c0_i32_0 : i32, i32
  }
  func.func @transform_2(%arg0: i32) -> (i32, i32) {
    %c0_i32 = arith.constant 0 : i32
    %c0_i32_0 = arith.constant 0 : i32
    %c0_i32_1 = arith.constant 0 : i32
    return %c0_i32, %c0_i32_0 : i32, i32
  }
  func.func @transform_3(%arg0: i32) -> (i32, i32) {
    %c0_i32 = arith.constant 0 : i32
    %c0_i32_0 = arith.constant 0 : i32
    return %arg0, %c0_i32 : i32, i32
  }
  func.func @transform_4(%arg0: i32) -> (i32, i32) {
    %c0_i32 = arith.constant 0 : i32
    %c0_i32_0 = arith.constant 0 : i32
    return %arg0, %c0_i32 : i32, i32
  }
  func.func @transform_5(%arg0: i32) -> (i32, i32) {
    %c0_i32 = arith.constant 0 : i32
    %c0_i32_0 = arith.constant 0 : i32
    return %arg0, %c0_i32 : i32, i32
  }
}

</mosaic_0001>

<sc_bundles>
// kernel: kernel.11.cloned.1.call-start
scs
__scs_entry_jumppad:
0x0: {  	(pc) =	sbr.rel $0x88, $3  }
0x1: {  	(tag) =	ssettag $0x0;
	lr =	simm.s32 $0x1  }
0x2: {  	[smem:$0x3F9A] =	sst lr;
	_ =	strace $0xD0000000  }
0x3: {  	_ = 	snop  }
0x4: {  	_ = 	snop  }
0x5: {  	_ = 	snop  }
0x6: {  	_ = 	snop  }
0x7: {  	_ = 	snop  }
__scs_overlays_trampoline_lowered:
0x8: {  	[smem:$0x3FA9] =	sst s0  }
0x9: {  	[smem:$0x3FAA] =	sst s1  }
0xa: {  	[smem:$0x3FAB] =	sst s2  }
0xb: {  	[smem:$0x3FAC] =	sst s3  }
0xc: {  	[smem:$0x3FAD] =	sst s4  }
0xd: {  	[smem:$0x3FAE] =	sst s5  }
0xe: {  	[smem:$0x3FAF] =	sst s6  }
0xf: {  	[smem:$0x3FB0] =	sst s7  }
0x10: {  	[smem:$0x3FB1] =	sst s8  }
0x11: {  	[smem:$0x3FB2] =	sst s9;
	s0 =	simm.s32 @!p0 $0x0  }
0x12: {  	s1 =	sld [smem:$0x3F98];
	s0 =	simm.s32 @p0 $0x1  }
0x13: {  	[smem:$0x3FB3] =	sst s0;
	s0 =	simm.s32 @!p1 $0x0  }
0x14: {  	s2 =	sld [smem:$0x3F97];
	s0 =	simm.s32 @p1 $0x1  }
0x15: {  	[smem:$0x3FB4] =	sst s0;
	s0 =	simm.s32 @!p2 $0x0  }
0x16: {  	s3 =	sld [smem:$0x3FDB];
	s0 =	simm.s32 @p2 $0x1  }
0x17: {  	s4 =	simm.s32 $0x1BF5;
	[smem:$0x3FB6] =	sst s0  }
0x18: {  	s0 =	sld [smem:$0x3F99];
	_ =	swait.ge [sflag:s4], $0x0  }
0x19: {  	s7 =	sld [smem:$0x3F9A]  }
0x1a: {  	s8 =	sadd.s32 $0xFFFFE003, lr  }
0x1b: {  	s9 =	sadd.s32 $0xFFFFFEF7, lr;
	s5 =	simm.s32 $0xFFFFFFFF;
	p2 =	slt.u32 s8, $0xFFFFF086  }
0x1c: {  	p1 =	slt.u32 s9, $0xF7A;
	s5 =	simm.s32 @!p2 $0x0  }
0x1d: {  	s5 =	simm.s32 @p1 $0x1;
	p0 =	seq.s32 s7, s2  }
0x1e: {  	s7 =	smul.u32 @!p0 $0xF7A, s2;
	p2 =	seq.s32 @!p0 s5, $0x0  }
0x1f: {  	s9 =	smul.u32 $0xF7A, s1;
	s8 =	simm.s32 @!p0 $0x1BF5;
	p2 =	por !p2, p0  }
0x20: {  	[sflag:s8] =	ssyncset.s32 @!p0 $0xFFFFF086;
	s6 =	sadd.s32 @!p0 s3, s7;
	s7 =	simm.s32 @!p0 $0x108  }
0x21: {  	s3 =	sadd.s32 s3, s9;
	s6 =	sadd.s32 @!p0 $0x88, s6;
	s7 =	simm.s32 @p2 $0x1082  }
0x22: {  	[simem:s7], [sflag:s8] =	dma.local @!p0 [hbm:s6], $0xF7A  }
0x23: {  	s9 =	sor.u32 $0xD0000000, s2;
	s6 =	simm.s32 $0x108;
	_ =	swait.ge @!p0 [sflag:s8], $0x0  }
0x24: {  	s3 =	sadd.s32 $0x88, s3;
	s6 =	simm.s32 @!p1 $0x1082;
	[sflag:s4] =	ssyncset.s32 $0xFFFFF086  }
0x25: {  	[simem:s6], [sflag:s4] =	dma.local [hbm:s3], $0xF7A  }
0x26: {  	[smem:$0x3F9A] =	sst s1;
	(tag) =	ssettag s2;
	_ =	strace s9  }
0x27: {  	s1 =	sld [smem:$0x3FAA]  }
0x28: {  	s2 =	sld [smem:$0x3FAB]  }
0x29: {  	s4 =	sld [smem:$0x3FAD]  }
0x2a: {  	p0 =	seq.s32 s5, $0x0;
	s5 =	sld [smem:$0x3FAE]  }
0x2b: {  	s6 =	sld [smem:$0x3FAF]  }
0x2c: {  	s7 =	sld [smem:$0x3FB0]  }
0x2d: {  	s3 =	simm.s32 $0x108;
	s8 =	sld [smem:$0x3FB1]  }
0x2e: {  	s3 =	simm.s32 @!p0 $0x1082;
	s9 =	sld [smem:$0x3FB2]  }
0x2f: {  	lr =	sadd.s32 s0, s3;
	s0 =	sld [smem:$0x3FA9]  }
0x30: {  	s3 =	sld [smem:$0x3FAC]  }
0x31: {  	[smem:$0x3FB5] =	sst s10  }
0x32: {  	s10 =	sld [smem:$0x3FB3];
	_ =	sdelay $0x3  }
0x33: {  	p0 =	seq.s32 s10, $0x1;
	s10 =	sld [smem:$0x3FB5];
	_ =	sdelay $0x3  }
0x34: {  	[smem:$0x3FB5] =	sst s10  }
0x35: {  	s10 =	sld [smem:$0x3FB4];
	_ =	sdelay $0x3  }
0x36: {  	p1 =	seq.s32 s10, $0x1;
	s10 =	sld [smem:$0x3FB5];
	_ =	sdelay $0x3  }
0x37: {  	[smem:$0x3FB5] =	sst s10  }
0x38: {  	s10 =	sld [smem:$0x3FB6]  }
0x39: {  	_ = 	snop;
	(pc) =	sbr.ind lr, $3  }
0x3a: {  	_ = 	snop  }
0x3b: {  	_ = 	snop  }
0x3c: {  	p2 =	seq.s32 s10, $0x1;
	s10 =	sld [smem:$0x3FB5]  }
0x3d: {  	_ =	shalt  }
0x3e: {  	_ =	shalt  }
0x3f: {  	_ =	shalt  }
0x40: {  	_ =	shalt  }
0x41: {  	_ =	shalt  }
0x42: {  	_ =	shalt  }
0x43: {  	_ =	shalt  }
0x44: {  	_ =	shalt  }
0x45: {  	_ =	shalt  }
0x46: {  	_ =	shalt  }
0x47: {  	_ =	shalt  }
0x48: {  	_ =	shalt  }
0x49: {  	_ =	shalt  }
0x4a: {  	_ =	shalt  }
0x4b: {  	_ =	shalt  }
0x4c: {  	_ =	shalt  }
0x4d: {  	_ =	shalt  }
0x4e: {  	_ =	shalt  }
0x4f: {  	_ =	shalt  }
0x50: {  	_ =	shalt  }
0x51: {  	_ =	shalt  }
0x52: {  	_ =	shalt  }
0x53: {  	_ =	shalt  }
0x54: {  	_ =	shalt  }
0x55: {  	_ =	shalt  }
0x56: {  	_ =	shalt  }
0x57: {  	_ =	shalt  }
0x58: {  	_ =	shalt  }
0x59: {  	_ =	shalt  }
0x5a: {  	_ =	shalt  }
0x5b: {  	_ =	shalt  }
0x5c: {  	_ =	shalt  }
0x5d: {  	_ =	shalt  }
0x5e: {  	_ =	shalt  }
0x5f: {  	_ =	shalt  }
0x60: {  	_ =	shalt  }
0x61: {  	_ =	shalt  }
0x62: {  	_ =	shalt  }
0x63: {  	_ =	shalt  }
0x64: {  	_ =	shalt  }
0x65: {  	_ =	shalt  }
0x66: {  	_ =	shalt  }
0x67: {  	_ =	shalt  }
0x68: {  	_ =	shalt  }
0x69: {  	_ =	shalt  }
0x6a: {  	_ =	shalt  }
0x6b: {  	_ =	shalt  }
0x6c: {  	_ =	shalt  }
0x6d: {  	_ =	shalt  }
0x6e: {  	_ =	shalt  }
0x6f: {  	_ =	shalt  }
0x70: {  	_ =	shalt  }
0x71: {  	_ =	shalt  }
0x72: {  	_ =	shalt  }
0x73: {  	_ =	shalt  }
0x74: {  	_ =	shalt  }
0x75: {  	_ =	shalt  }
0x76: {  	_ =	shalt  }
0x77: {  	_ =	shalt  }
0x78: {  	_ =	shalt  }
0x79: {  	_ =	shalt  }
0x7a: {  	_ =	shalt  }
0x7b: {  	_ =	shalt  }
0x7c: {  	_ =	shalt  }
0x7d: {  	_ =	shalt  }
0x7e: {  	_ =	shalt  }
0x7f: {  	_ =	shalt  }
0x80: {  	_ =	shalt  }
0x81: {  	_ =	shalt  }
0x82: {  	_ =	shalt  }
0x83: {  	_ =	shalt  }
0x84: {  	_ =	shalt  }
0x85: {  	_ =	shalt  }
0x86: {  	_ =	shalt  }
0x87: {  	_ =	shalt  }
.Lfunc_end0:
.L_simem_size_0:
called_computation.1_lowered:
.L_overlay_start_0:
0x88: {  	s2 =	sld [smem:$0x3FD9]  }
0x89: {  	s3 =	sld [smem:$0x3FFE];
	_ =	sdelay $0x1  }
0x8a: {  	s1 =	srdreg.scid  }
0x8b: {  	s0 =	sand.u32 $0x1, s1  }
0x8c: {  	s16 =	sshll.u32 s0, $0xA;
	s2 =	sadd.s32 s3, s2  }
0x8d: {  	s2 =	sadd.s32 s2, s16  }
0x8e: {  	[smem:$0x3FC1] =	sst s2  }
0x8f: {  	_ = 	snop  }
0x90: {  	(tm) =	ssettm $0x1  }
0x91: {  	s17 =	sld [smem:$0x3FFB];
	_ =	sdelay $0x3  }
0x92: {  	_ =	strace s17  }
0x93: {  	s2 =	sld [smem:$0x3FFC];
	_ =	sdelay $0x3  }
0x94: {  	_ =	strace s2  }
0x95: {  	s2 =	sld [smem:$0x3FFD];
	_ =	sdelay $0x3  }
0x96: {  	_ =	strace s2  }
0x97: {  	_ =	strace $0x8FFFFFFF  }
0x98: {  	s18 =	sld [smem:$0x3FDB];
	_ =	sdelay $0x1  }
0x99: {  	s19 =	simm.s32 $_scs_section_size  }
0x9a: {  	s4 =	simm.s32 $_size__tile_overlayer_lowered;
	s5 =	simm.s32 $_tile_overlayer_lowered  }
0x9b: {  	s22 =	simm.s32 $0x1BFF;
	s21 =	sshll.u32 s5, $0x1;
	s2 =	sadd.s32 s19, s18  }
0x9c: {  	s6 =	simm.s32 $0x0;
	s20 =	sshll.u32 s4, $0x1;
	s4 =	sadd.s32 s21, s2  }
0x9d: {  	[timem:s6], [sflag:s22] =	dma.local [hbm:s4], s20  }
0x9e: {  	_ =	swait.ge [sflag:s22], s20  }
0x9f: {  	s3 =	ssub.s32 $0x0, s20;
	[sflag:s22] =	ssyncset.done $0x0  }
0xa0: {  	[sflag:s22] =	ssyncadd.s32 s3;
	_ =	sdelay $0x1  }
0xa1: {  	s23 =	simm.s32 $0x1B8B  }
0xa2: {  	_ =	swait.ge [sflag:s23], $0x1  }
0xa3: {  	[sflag:s23] =	ssyncset.done $0x0  }
0xa4: {  	s25 =	simm.s32 $0x1B8E;
	s24 =	sld [smem:$0x3FFE];
	[sflag:s23] =	ssyncadd.s32 $0xFFFFFFFF  }
0xa5: {  	s26 =	simm.s32 $execute0_lowered;
	[smem:$0x3FD2] =	sst s25  }
0xa6: {  	s4 =	sshll.u32 s26, $0x1;
	_ =	strace $0x80000049;
	[dreg:$0x1] =	wrdreg $0xFFFFFFFF  }
0xa7: {  	s28 =	simm.s32 $_size_execute0_lowered;
	s2 =	sadd.s32 s2, s4;
	[dreg:$0x0] =	wrdreg $0x0  }
0xa8: {  	s4 =	sshll.u32 s28, $0x1;
	[dreg:$0x2] =	wrdreg s2  }
0xa9: {  	[dreg:$0x3] =	wrdreg s4  }
0xaa: {  	[dreg:$0x4] =	wrdreg $0xC0  }
0xab: {  	_ =	task [dreg:s6], $0x5FFFF  }
0xac: {  	[dreg:$0x1] =	wrdreg $0xFFFFFFFF  }
0xad: {  	[dreg:$0x0] =	wrdreg $0x60  }
0xae: {  	[dreg:$0x2] =	wrdreg s24  }
0xaf: {  	[dreg:$0x3] =	wrdreg $0xB2000  }
0xb0: {  	[dreg:$0x4] =	wrdreg $0x9  }
0xb1: {  	_ =	task.clear_ibuf [dreg:s6], $0x5FFFF;
	_ =	strace $0x90000049  }
0xb2: {  	s29 =	simm.s32 $0x9;
	_ =	strace $0x8000004B  }
0xb3: {  	_ =	swait.ge [sflag:s29], $0x1  }
0xb4: {  	[sflag:s29] =	ssyncadd.s32 $0xFFFFFFFF  }
0xb5: {  	_ =	strace $0x9000004B  }
0xb6: {  	_ =	sfence  }
0xb7: {  	s30 =	sld [smem:$0x0];
	_ =	sdelay $0x2  }
0xb8: {  	s31 =	sshll.u32 s1, $0xD;
	s1 =	sshrl.u32 s1, $0x2  }
0xb9: {  	s3 =	sand.u32 $0x4000, s31;
	s1 =	sadd.s32 s1, s30  }
0xba: {  	s0 =	sor.u32 s3, s0;
	s1 =	sshll.u32 s1, $0x11  }
0xbb: {  	s0 =	sor.u32 s1, s0  }
0xbc: {  	s0 =	sadd.s32 $0x8F2B, s0  }
0xbd: {  	[sflag:s0] =	ssyncadd.remote.s32 $0x1  }
0xbe: {  	_ =	sfence.sel $0xFFFF  }
0xbf: {  	[dreg:$0x0] =	wrdreg $0xFFFFFFFF;
	(pc) =	sbr.abs _section_cstart, $3  }
0xc0: {  	[dreg:$0x1] =	wrdreg $0xFFFFFFFF  }
0xc1: {  	_ =	task.clear_ibuf [dreg:s6], $0x2FFFF;
	_ =	strace $0x9FFFFFFF  }
0xc2: {  	(tm) =	ssettm $0x7FFFFFFF  }
0xc3: {  	_ =	shalt  }
tec
execute0_lowered:
.L_overlay_start_1:
0x0: {  	(tag) =	ssettag $0x1  }
0x1: {  	s0 =	srdreg.scid;
	s1 =	rddreg [dreg:$0x0]  }
0x2: {  	s6 =	stileid.u32;
	s2 =	rddreg [dreg:$0x1]  }
0x3: {  	s9 =	simm.s32 $0xA080;
	s10 =	simm.s32 $0x1;
	s11 =	simm.s32 $0xA100  }
0x4: {  	s0 =	sand.u32 $0x1, s0;
	s7 =	smul.u32 $0x14000, s6;
	s8 =	sadd.s32 $0x17600, s1  }
0x5: {  	s12 =	sadd.s32 $0x16A00, s1;
	s3 =	sshll.u32 s0, $0x4;
	s5 =	smul.u32 $0x140000, s0  }
0x6: {  	s0 =	ssub.s32 $0x2, s0;
	s4 =	sor.u32 s6, s3;
	s3 =	simm.s32 $0x0  }
0x7: {  	s6 =	smul.u32 $0x50000, s6;
	s13 =	sshrl.u32 s0, $0x1;
	s15 =	sadd.s32 s7, s2  }
0x8: {  	s4 =	smul.u32 $0x500, s4;
	[smem:$0x7FF] =	sst s3;
	s5 =	sadd.s32 s7, s5  }
0x9: {  	s0 =	ssub.s32 s0, s13;
	_ =	strace $0x8000004A;
	[dreg:$0x3] =	wrdreg s8  }
0xa: {  	s7 =	simm.s32 $0x80;
	[dreg:$0x4] =	wrdreg s12;
	s5 =	sshrl.u32 s5, $0x3  }
0xb: {  	s6 =	sshrl.u32 s6, $0x2;
	s0 =	smax.u32 s0, $0x1;
	s8 =	simm.s32 $0xA000  }
0xc: {  	s12 =	simm.s32 $0xA180;
	s4 =	sadd.s32 s4, s1;
	s1 =	sadd.s32 s5, s1  }
0xd: {  	s6 =	sadd.s32 s6, s2;
	[dreg:$0x8] =	wrdreg s0;
	s0 =	simm.s32 $0x2  }
0xe: {  	s5 =	simm.s32 $0x7800;
	s14 =	sadd.s32 $0xC600, s4;
	s4 =	sadd.s32 $0x2200, s4  }
0xf: {  	s1 =	sadd.s32 $0x17C00, s1;
	s22 =	sadd.s32 $0x1000, s6;
	s23 =	sadd.s32 $0x2000, s6  }
0x10: {  	s24 =	sadd.s32 $0x3000, s6;
	s25 =	sadd.s32 $0x4000, s6;
	[dreg:$0x5] =	wrdreg s14  }
0x11: {  	s26 =	sadd.s32 $0x5000, s6;
	s16 =	sadd.s32 $0x6000, s6;
	[dreg:$0x6] =	wrdreg s4  }
0x12: {  	s17 =	sadd.s32 $0x7000, s6;
	s18 =	sadd.s32 $0x8000, s6;
	[dreg:$0x7] =	wrdreg s1  }
0x13: {  	s19 =	sadd.s32 $0x9000, s6;
	s20 =	sadd.s32 $0xA000, s6;
	[dreg:$0x9] =	wrdreg s22  }
0x14: {  	s21 =	sadd.s32 $0xB000, s6;
	s28 =	sadd.s32 $0x10000, s6;
	[dreg:$0xa] =	wrdreg s23  }
.Ltmp0:
0x15: {  	s29 =	sadd.s32 $0x11000, s6;
	[dreg:$0xb] =	wrdreg s24;
	(pc) =	sbr.rel .LBB2_1-.Ltmp0, $4  }
0x16: {  	s30 =	sadd.s32 $0x12000, s6;
	s31 =	sadd.s32 $0x13000, s6;
	[dreg:$0xc] =	wrdreg s25  }
0x17: {  	[dreg:$0xd] =	wrdreg s26;
	s22 =	sadd.s32 $0xC000, s6;
	s23 =	sadd.s32 $0xD000, s6  }
0x18: {  	s24 =	sadd.s32 $0xE000, s6;
	s25 =	sshrl.u32 s15, $0x3;
	s26 =	sadd.s32 $0xF000, s6  }
0x19: {  	v0 =	vimm.f32 $0.0e+00;
	s1 =	simm.s32 $0xA200;
	s4 =	simm.s32 $0x5000;
	s15 =	simm.s32 $0x2800  }
.LBB2_7:
0x1a: {  	s13 =	stileid.u32  }
0x1b: {  	[bflag:$0x0] =	sbarrier.arrive $0xFFFF;
	s13 =	sshll.u32 s13, $0x6  }
0x1c: {  	s14 =	rddreg [dreg:$0x7];
	s13 =	sor.u32 $0x1C02, s13  }
0x1d: {  	[hbm:s14], [sflag:s13] =	dma.local [spmem:s25], $0x2800  }
0x1e: {  	_ =	swait.ge [sflag:s0], $0x2800  }
0x1f: {  	s3 =	sadd.s32 $0x1, s3;
	s14 =	rddreg [dreg:$0x8]  }
0x20: {  	p0 =	sne.s32 s3, s14  }
.Ltmp1:
0x21: {  	_ = 	snop;
	(pc) =	sbr.rel @!p0 .LBB2_8-.Ltmp1, $3  }
0x22: {  	_ =	sdelay $0x1  }
0x23: {  	[sflag:s0] =	ssyncset.done $0x0  }
0x24: {  	[sflag:s0] =	ssyncadd.s32 $0xFFFFD800  }
.LBB2_1:
0x25: {  	s13 =	simm.s32 $0x40;
	s14 =	simm.s32 $0x0  }
.LBB2_2:
0x26: {  	p0 =	sne.s32 s13, $0x3FC0;
	[tilespmem:s14+$0xA200] =	vst v0;
	s14 =	smov.u32 s13;
	s13 =	sadd.s32 $0x40, s13  }
.Ltmp2:
0x27: {  	(pc) =	sbr.rel @p0 .LBB2_2-.Ltmp2, $2  }
0x28: {  	_ =	sdelay $0x2  }
0x29: {  	s14 =	sshra.s32 s14, $0x2  }
0x2a: {  	[tilespmem:s14+$0xA200] =	vst v0  }
0x2b: {  	[spmem:s6] =	stream.linear.scatter [tilespmem:s1], [sflag:$0x2], $0x1000, $0x38;
	[tilespmem:$0x1F200] =	vst v63  }
0x2c: {  	_ =	swait.ge [sflag:s0], $0x1000  }
0x2d: {  	[sflag:s0] =	ssyncset.done $0x0  }
0x2e: {  	s13 =	rddreg [dreg:$0x9];
	[sflag:s0] =	ssyncadd.s32 $0xFFFFF000  }
0x2f: {  	[spmem:s13] =	stream.linear.scatter [tilespmem:s1], [sflag:$0x2], $0x1000, $0x38;
	[tilespmem:$0x1F200] =	vst v63  }
0x30: {  	_ =	swait.ge [sflag:s0], $0x1000  }
0x31: {  	[sflag:s0] =	ssyncset.done $0x0  }
0x32: {  	s14 =	rddreg [dreg:$0xa];
	[sflag:s0] =	ssyncadd.s32 $0xFFFFF000  }
0x33: {  	[spmem:s14] =	stream.linear.scatter [tilespmem:s1], [sflag:$0x2], $0x1000, $0x38;
	[tilespmem:$0x1F200] =	vst v63  }
0x34: {  	_ =	swait.ge [sflag:s0], $0x1000  }
0x35: {  	[sflag:s0] =	ssyncset.done $0x0  }
0x36: {  	s14 =	rddreg [dreg:$0xb];
	[sflag:s0] =	ssyncadd.s32 $0xFFFFF000  }
0x37: {  	[spmem:s14] =	stream.linear.scatter [tilespmem:s1], [sflag:$0x2], $0x1000, $0x38;
	[tilespmem:$0x1F200] =	vst v63  }
0x38: {  	_ =	swait.ge [sflag:s0], $0x1000  }
0x39: {  	[sflag:s0] =	ssyncset.done $0x0  }
0x3a: {  	s14 =	rddreg [dreg:$0xc];
	[sflag:s0] =	ssyncadd.s32 $0xFFFFF000  }
0x3b: {  	[spmem:s14] =	stream.linear.scatter [tilespmem:s1], [sflag:$0x2], $0x1000, $0x38;
	[tilespmem:$0x1F200] =	vst v63  }
0x3c: {  	_ =	swait.ge [sflag:s0], $0x1000  }
0x3d: {  	[sflag:s0] =	ssyncset.done $0x0  }
0x3e: {  	s14 =	rddreg [dreg:$0xd];
	[sflag:s0] =	ssyncadd.s32 $0xFFFFF000  }
0x3f: {  	[spmem:s14] =	stream.linear.scatter [tilespmem:s1], [sflag:$0x2], $0x1000, $0x38;
	[tilespmem:$0x1F200] =	vst v63  }
0x40: {  	_ =	swait.ge [sflag:s0], $0x1000  }
0x41: {  	[sflag:s0] =	ssyncset.done $0x0  }
0x42: {  	[sflag:s0] =	ssyncadd.s32 $0xFFFFF000  }
0x43: {  	[spmem:s16] =	stream.linear.scatter [tilespmem:s1], [sflag:$0x2], $0x1000, $0x38;
	[tilespmem:$0x1F200] =	vst v63  }
0x44: {  	_ =	swait.ge [sflag:s0], $0x1000  }
0x45: {  	[sflag:s0] =	ssyncset.done $0x0  }
0x46: {  	[sflag:s0] =	ssyncadd.s32 $0xFFFFF000  }
0x47: {  	[spmem:s17] =	stream.linear.scatter [tilespmem:s1], [sflag:$0x2], $0x1000, $0x38;
	[tilespmem:$0x1F200] =	vst v63  }
0x48: {  	_ =	swait.ge [sflag:s0], $0x1000  }
0x49: {  	[sflag:s0] =	ssyncset.done $0x0  }
0x4a: {  	[sflag:s0] =	ssyncadd.s32 $0xFFFFF000  }
0x4b: {  	[spmem:s18] =	stream.linear.scatter [tilespmem:s1], [sflag:$0x2], $0x1000, $0x38;
	[tilespmem:$0x1F200] =	vst v63  }
0x4c: {  	_ =	swait.ge [sflag:s0], $0x1000  }
0x4d: {  	[sflag:s0] =	ssyncset.done $0x0  }
0x4e: {  	[sflag:s0] =	ssyncadd.s32 $0xFFFFF000  }
0x4f: {  	[spmem:s19] =	stream.linear.scatter [tilespmem:s1], [sflag:$0x2], $0x1000, $0x38;
	[tilespmem:$0x1F200] =	vst v63  }
0x50: {  	_ =	swait.ge [sflag:s0], $0x1000  }
0x51: {  	[sflag:s0] =	ssyncset.done $0x0  }
0x52: {  	[sflag:s0] =	ssyncadd.s32 $0xFFFFF000  }
0x53: {  	[spmem:s20] =	stream.linear.scatter [tilespmem:s1], [sflag:$0x2], $0x1000, $0x38;
	[tilespmem:$0x1F200] =	vst v63  }
0x54: {  	_ =	swait.ge [sflag:s0], $0x1000  }
0x55: {  	[sflag:s0] =	ssyncset.done $0x0  }
0x56: {  	[sflag:s0] =	ssyncadd.s32 $0xFFFFF000  }
0x57: {  	[spmem:s21] =	stream.linear.scatter [tilespmem:s1], [sflag:$0x2], $0x1000, $0x38;
	[tilespmem:$0x1F200] =	vst v63  }
0x58: {  	_ =	swait.ge [sflag:s0], $0x1000  }
0x59: {  	[sflag:s0] =	ssyncset.done $0x0  }
0x5a: {  	[sflag:s0] =	ssyncadd.s32 $0xFFFFF000  }
0x5b: {  	[spmem:s22] =	stream.linear.scatter [tilespmem:s1], [sflag:$0x2], $0x1000, $0x38;
	[tilespmem:$0x1F200] =	vst v63  }
0x5c: {  	_ =	swait.ge [sflag:s0], $0x1000  }
0x5d: {  	[sflag:s0] =	ssyncset.done $0x0  }
0x5e: {  	[sflag:s0] =	ssyncadd.s32 $0xFFFFF000  }
0x5f: {  	[spmem:s23] =	stream.linear.scatter [tilespmem:s1], [sflag:$0x2], $0x1000, $0x38;
	[tilespmem:$0x1F200] =	vst v63  }
0x60: {  	_ =	swait.ge [sflag:s0], $0x1000  }
0x61: {  	[sflag:s0] =	ssyncset.done $0x0  }
0x62: {  	[sflag:s0] =	ssyncadd.s32 $0xFFFFF000  }
0x63: {  	[spmem:s24] =	stream.linear.scatter [tilespmem:s1], [sflag:$0x2], $0x1000, $0x38;
	[tilespmem:$0x1F200] =	vst v63  }
0x64: {  	_ =	swait.ge [sflag:s0], $0x1000  }
0x65: {  	[sflag:s0] =	ssyncset.done $0x0  }
0x66: {  	[sflag:s0] =	ssyncadd.s32 $0xFFFFF000  }
0x67: {  	[spmem:s26] =	stream.linear.scatter [tilespmem:s1], [sflag:$0x2], $0x1000, $0x38;
	[tilespmem:$0x1F200] =	vst v63  }
0x68: {  	_ =	swait.ge [sflag:s0], $0x1000  }
0x69: {  	[sflag:s0] =	ssyncset.done $0x0  }
0x6a: {  	[sflag:s0] =	ssyncadd.s32 $0xFFFFF000  }
0x6b: {  	[spmem:s28] =	stream.linear.scatter [tilespmem:s1], [sflag:$0x2], $0x1000, $0x38;
	[tilespmem:$0x1F200] =	vst v63  }
0x6c: {  	_ =	swait.ge [sflag:s0], $0x1000  }
0x6d: {  	[sflag:s0] =	ssyncset.done $0x0  }
0x6e: {  	[sflag:s0] =	ssyncadd.s32 $0xFFFFF000  }
0x6f: {  	[spmem:s29] =	stream.linear.scatter [tilespmem:s1], [sflag:$0x2], $0x1000, $0x38;
	[tilespmem:$0x1F200] =	vst v63  }
0x70: {  	_ =	swait.ge [sflag:s0], $0x1000  }
0x71: {  	[sflag:s0] =	ssyncset.done $0x0  }
0x72: {  	[sflag:s0] =	ssyncadd.s32 $0xFFFFF000  }
0x73: {  	[spmem:s30] =	stream.linear.scatter [tilespmem:s1], [sflag:$0x2], $0x1000, $0x38;
	[tilespmem:$0x1F200] =	vst v63  }
0x74: {  	_ =	swait.ge [sflag:s0], $0x1000  }
0x75: {  	[sflag:s0] =	ssyncset.done $0x0  }
0x76: {  	[sflag:s0] =	ssyncadd.s32 $0xFFFFF000  }
0x77: {  	[spmem:s31] =	stream.linear.scatter [tilespmem:s1], [sflag:$0x2], $0x1000, $0x38;
	[tilespmem:$0x1F200] =	vst v63  }
0x78: {  	_ =	swait.ge [sflag:s0], $0x1000  }
0x79: {  	[sflag:s0] =	ssyncset.done $0x0  }
0x7a: {  	s13 =	simm.s32 $0x0;
	s14 =	rddreg [dreg:$0x3];
	[sflag:s0] =	ssyncadd.s32 $0xFFFFF000  }
0x7b: {  	[tilespmem:s4], [sflag:$0x2] =	stream.linear.gather [hbm4b:s14+s13], $0x2800, $0x38;
	[tilespmem:$0x1F200] =	vst v63  }
0x7c: {  	_ =	swait.ge [sflag:s0], $0x2800  }
0x7d: {  	[sflag:s0] =	ssyncset.done $0x0  }
0x7e: {  	s14 =	rddreg [dreg:$0x4];
	[sflag:s0] =	ssyncadd.s32 $0xFFFFD800  }
0x7f: {  	[tilespmem:s5], [sflag:$0x2] =	stream.linear.gather [hbm4b:s14+s13], $0x2800, $0x38;
	[tilespmem:$0x1F200] =	vst v63  }
0x80: {  	_ =	swait.ge [sflag:s0], $0x2800  }
0x81: {  	[sflag:s0] =	ssyncset.done $0x0  }
0x82: {  	s14 =	rddreg [dreg:$0x5];
	[sflag:s0] =	ssyncadd.s32 $0xFFFFD800  }
0x83: {  	[tilespmem:s13], [sflag:$0x2] =	stream.linear.gather [hbm4b:s14+s13], $0x2800, $0x38;
	[tilespmem:$0x1F200] =	vst v63  }
0x84: {  	_ =	swait.ge [sflag:s0], $0x2800  }
0x85: {  	[sflag:s0] =	ssyncset.done $0x0  }
0x86: {  	s14 =	rddreg [dreg:$0x6];
	[sflag:s0] =	ssyncadd.s32 $0xFFFFD800  }
0x87: {  	[tilespmem:s15], [sflag:$0x2] =	stream.linear.gather [hbm4b:s14+s13], $0x2800, $0x38;
	[tilespmem:$0x1F200] =	vst v63  }
0x88: {  	_ =	swait.ge [sflag:s0], $0x2800  }
0x89: {  	[sflag:s0] =	ssyncset.done $0x0  }
0x8a: {  	[sflag:s0] =	ssyncadd.s32 $0xFFFFD800  }
0x8b: {  	[bflag:$0x0] =	sbarrier.arrive $0xFFFF  }
0x8c: {  	v1 =	vld [tilespmem:$0x0];
	_ =	sdelay $0x5  }
0x8d: {  	v2 =	vld [tilespmem:$0x2800]  }
0x8e: {  	v4 =	vld [tilespmem:$0x10]  }
0x8f: {  	v3 =	vld.idx.msk [tilespmem:v1+s4+$0x0], $0xffff  }
0x90: {  	v1 =	vld.idx.msk [tilespmem:v1+s5+$0x0], $0xffff;
	_ =	sdelay $0x3  }
0x91: {  	v2 =	vshll.u32 v2, $0x7  }
0x92: {  	v2 =	vadd.s32 v3, v2;
	[tilespmem:$0xA080] =	vst v1;
	v1 =	vld [tilespmem:$0x2810]  }
0x93: {  	v3 =	vld [tilespmem:$0x20];
	[tilespmem:$0xA000] =	vst v2  }
0x94: {  	v2 =	vld.idx.msk [tilespmem:v4+s4+$0x0], $0xffff  }
0x95: {  	v4 =	vld.idx.msk [tilespmem:v4+s5+$0x0], $0xffff;
	_ =	sdelay $0x3  }
0x96: {  	v1 =	vshll.u32 v1, $0x7  }
0x97: {  	v61 =	vld [tilespmem:$0x30];
	v1 =	vadd.s32 v2, v1;
	[tilespmem:$0xA090] =	vst v4  }
0x98: {  	[tilespmem:$0xA010] =	vst v1;
	v1 =	vld [tilespmem:$0x2820]  }
0x99: {  	v2 =	vld.idx.msk [tilespmem:v3+s4+$0x0], $0xffff  }
0x9a: {  	v3 =	vld.idx.msk [tilespmem:v3+s5+$0x0], $0xffff;
	_ =	sdelay $0x3  }
0x9b: {  	v1 =	vshll.u32 v1, $0x7  }
0x9c: {  	v1 =	vadd.s32 v2, v1;
	[tilespmem:$0xA0A0] =	vst v3;
	v3 =	vld [tilespmem:$0x40]  }
0x9d: {  	[tilespmem:$0xA020] =	vst v1;
	v1 =	vld [tilespmem:$0x2830]  }
0x9e: {  	v2 =	vld.idx.msk [tilespmem:v61+s4+$0x0], $0xffff  }
0x9f: {  	v4 =	vld.idx.msk [tilespmem:v61+s5+$0x0], $0xffff;
	_ =	sdelay $0x3  }
0xa0: {  	v1 =	vshll.u32 v1, $0x7  }
0xa1: {  	v62 =	vld [tilespmem:$0x50];
	v1 =	vadd.s32 v2, v1;
	[tilespmem:$0xA0B0] =	vst v4  }
0xa2: {  	[tilespmem:$0xA030] =	vst v1;
	v1 =	vld [tilespmem:$0x2840]  }
0xa3: {  	v2 =	vld.idx.msk [tilespmem:v3+s4+$0x0], $0xffff  }
0xa4: {  	v3 =	vld.idx.msk [tilespmem:v3+s5+$0x0], $0xffff;
	_ =	sdelay $0x3  }
0xa5: {  	v1 =	vshll.u32 v1, $0x7  }
0xa6: {  	v1 =	vadd.s32 v2, v1;
	[tilespmem:$0xA0C0] =	vst v3;
	v3 =	vld [tilespmem:$0x60]  }
0xa7: {  	[tilespmem:$0xA040] =	vst v1;
	v1 =	vld [tilespmem:$0x2850]  }
0xa8: {  	v2 =	vld.idx.msk [tilespmem:v62+s4+$0x0], $0xffff  }
0xa9: {  	v4 =	vld.idx.msk [tilespmem:v62+s5+$0x0], $0xffff;
	_ =	sdelay $0x3  }
0xaa: {  	v1 =	vshll.u32 v1, $0x7  }
0xab: {  	v63 =	vld [tilespmem:$0x70];
	v1 =	vadd.s32 v2, v1;
	[tilespmem:$0xA0D0] =	vst v4  }
0xac: {  	[tilespmem:$0xA050] =	vst v1;
	v1 =	vld [tilespmem:$0x2860]  }
0xad: {  	v2 =	vld.idx.msk [tilespmem:v3+s4+$0x0], $0xffff  }
0xae: {  	v3 =	vld.idx.msk [tilespmem:v3+s5+$0x0], $0xffff;
	_ =	sdelay $0x3  }
0xaf: {  	v1 =	vshll.u32 v1, $0x7  }
0xb0: {  	v1 =	vadd.s32 v2, v1;
	[tilespmem:$0xA0E0] =	vst v3  }
0xb1: {  	[tilespmem:$0xA060] =	vst v1;
	v1 =	vld [tilespmem:$0x2870]  }
0xb2: {  	v2 =	vld.idx.msk [tilespmem:v63+s4+$0x0], $0xffff  }
0xb3: {  	v3 =	vld.idx.msk [tilespmem:v63+s5+$0x0], $0xffff;
	_ =	sdelay $0x1  }
.Ltmp3:
0xb4: {  	_ = 	snop;
	(pc) =	sbr.rel .LBB2_4-.Ltmp3, $4  }
0xb5: {  	_ = 	snop  }
0xb6: {  	v1 =	vshll.u32 v1, $0x7  }
0xb7: {  	v1 =	vadd.s32 v2, v1;
	[tilespmem:$0xA0F0] =	vst v3  }
0xb8: {  	[tilespmem:$0xA070] =	vst v1  }
.LBB2_6:
0xb9: {  	s13 =	sadd.s32 $0x400, s13  }
0xba: {  	p0 =	sne.s32 s13, $0xA000  }
.Ltmp4:
0xbb: {  	_ = 	snop;
	(pc) =	sbr.rel @!p0 .LBB2_7-.Ltmp4, $4  }
0xbc: {  	_ = 	snop  }
0xbd: {  	_ =	swait.ge [sflag:s10], $0x80  }
0xbe: {  	[sflag:s10] =	ssyncset.done $0x0  }
0xbf: {  	[sflag:s10] =	ssyncadd.s32 $0xFFFFFF80  }
.LBB2_4:
0xc0: {  	[spmem:s2] =	stream.indirect.scatter.add.f32 [tilespmem:s9], [sflag:$0x1], $0x1, s8, s7, $0xb8;
	[tilespmem:$0x1F200] =	vst v63  }
0xc1: {  	s14 =	sshra.s32 s13, $0x2  }
0xc2: {  	v1 =	vld [tilespmem:s14+$0x80];
	_ =	sdelay $0x6  }
0xc3: {  	v2 =	vld [tilespmem:s14+$0x2880]  }
0xc4: {  	v3 =	vld.idx.msk [tilespmem:v1+s4+$0x0], $0xffff  }
0xc5: {  	v1 =	vld.idx.msk [tilespmem:v1+s5+$0x0], $0xffff;
	_ =	sdelay $0x3  }
0xc6: {  	v2 =	vshll.u32 v2, $0x7  }
0xc7: {  	v2 =	vadd.s32 v3, v2;
	[tilespmem:$0xA180] =	vst v1  }
0xc8: {  	[tilespmem:$0xA100] =	vst v2  }
0xc9: {  	v1 =	vld [tilespmem:s14+$0x90];
	_ =	sdelay $0x6  }
0xca: {  	v2 =	vld [tilespmem:s14+$0x2890]  }
0xcb: {  	v3 =	vld.idx.msk [tilespmem:v1+s4+$0x0], $0xffff  }
0xcc: {  	v1 =	vld.idx.msk [tilespmem:v1+s5+$0x0], $0xffff;
	_ =	sdelay $0x3  }
0xcd: {  	v2 =	vshll.u32 v2, $0x7  }
0xce: {  	v2 =	vadd.s32 v3, v2;
	[tilespmem:$0xA190] =	vst v1  }
0xcf: {  	[tilespmem:$0xA110] =	vst v2  }
0xd0: {  	v1 =	vld [tilespmem:s14+$0xA0];
	_ =	sdelay $0x6  }
0xd1: {  	v2 =	vld [tilespmem:s14+$0x28A0]  }
0xd2: {  	v3 =	vld.idx.msk [tilespmem:v1+s4+$0x0], $0xffff  }
0xd3: {  	v1 =	vld.idx.msk [tilespmem:v1+s5+$0x0], $0xffff;
	_ =	sdelay $0x3  }
0xd4: {  	v2 =	vshll.u32 v2, $0x7  }
0xd5: {  	v2 =	vadd.s32 v3, v2;
	[tilespmem:$0xA1A0] =	vst v1  }
0xd6: {  	[tilespmem:$0xA120] =	vst v2  }
0xd7: {  	v1 =	vld [tilespmem:s14+$0xB0];
	_ =	sdelay $0x6  }
0xd8: {  	v2 =	vld [tilespmem:s14+$0x28B0]  }
0xd9: {  	v3 =	vld.idx.msk [tilespmem:v1+s4+$0x0], $0xffff  }
0xda: {  	v1 =	vld.idx.msk [tilespmem:v1+s5+$0x0], $0xffff;
	_ =	sdelay $0x3  }
0xdb: {  	v2 =	vshll.u32 v2, $0x7  }
0xdc: {  	v2 =	vadd.s32 v3, v2;
	[tilespmem:$0xA1B0] =	vst v1  }
0xdd: {  	[tilespmem:$0xA130] =	vst v2  }
0xde: {  	v1 =	vld [tilespmem:s14+$0xC0];
	_ =	sdelay $0x6  }
0xdf: {  	v2 =	vld [tilespmem:s14+$0x28C0]  }
0xe0: {  	v3 =	vld.idx.msk [tilespmem:v1+s4+$0x0], $0xffff  }
0xe1: {  	v1 =	vld.idx.msk [tilespmem:v1+s5+$0x0], $0xffff;
	_ =	sdelay $0x3  }
0xe2: {  	v2 =	vshll.u32 v2, $0x7  }
0xe3: {  	v2 =	vadd.s32 v3, v2;
	[tilespmem:$0xA1C0] =	vst v1  }
0xe4: {  	[tilespmem:$0xA140] =	vst v2  }
0xe5: {  	v1 =	vld [tilespmem:s14+$0xD0];
	_ =	sdelay $0x6  }
0xe6: {  	v2 =	vld [tilespmem:s14+$0x28D0]  }
0xe7: {  	v3 =	vld.idx.msk [tilespmem:v1+s4+$0x0], $0xffff  }
0xe8: {  	v1 =	vld.idx.msk [tilespmem:v1+s5+$0x0], $0xffff;
	_ =	sdelay $0x3  }
0xe9: {  	v2 =	vshll.u32 v2, $0x7  }
0xea: {  	v2 =	vadd.s32 v3, v2;
	[tilespmem:$0xA1D0] =	vst v1  }
0xeb: {  	[tilespmem:$0xA150] =	vst v2  }
0xec: {  	v1 =	vld [tilespmem:s14+$0xE0];
	_ =	sdelay $0x6  }
0xed: {  	v2 =	vld [tilespmem:s14+$0x28E0]  }
0xee: {  	v3 =	vld.idx.msk [tilespmem:v1+s4+$0x0], $0xffff  }
0xef: {  	v1 =	vld.idx.msk [tilespmem:v1+s5+$0x0], $0xffff;
	_ =	sdelay $0x3  }
0xf0: {  	v2 =	vshll.u32 v2, $0x7  }
0xf1: {  	v2 =	vadd.s32 v3, v2;
	[tilespmem:$0xA1E0] =	vst v1  }
0xf2: {  	[tilespmem:$0xA160] =	vst v2  }
0xf3: {  	v1 =	vld [tilespmem:s14+$0xF0];
	_ =	sdelay $0x6  }
0xf4: {  	v2 =	vld [tilespmem:s14+$0x28F0]  }
0xf5: {  	v3 =	vld.idx.msk [tilespmem:v1+s4+$0x0], $0xffff  }
0xf6: {  	v1 =	vld.idx.msk [tilespmem:v1+s5+$0x0], $0xffff;
	_ =	sdelay $0x3  }
0xf7: {  	v2 =	vshll.u32 v2, $0x7  }
0xf8: {  	p0 =	seq.s32 s13, $0x9C00;
	v2 =	vadd.s32 v3, v2;
	[tilespmem:$0xA1F0] =	vst v1  }
.Ltmp5:
0xf9: {  	[tilespmem:$0xA170] =	vst v2;
	(pc) =	sbr.rel @p0 .LBB2_6-.Ltmp5, $4  }
0xfa: {  	_ =	swait.ge [sflag:s10], $0x80  }
0xfb: {  	[sflag:s10] =	ssyncset.done $0x0  }
0xfc: {  	[sflag:s10] =	ssyncadd.s32 $0xFFFFFF80  }
0xfd: {  	[spmem:s2] =	stream.indirect.scatter.add.f32 [tilespmem:s12], [sflag:$0x1], $0x1, s11, s7, $0xb8;
	[tilespmem:$0x1F200] =	vst v63  }
0xfe: {  	v1 =	vld [tilespmem:s14+$0x100];
	_ =	sdelay $0x6  }
0xff: {  	v2 =	vld [tilespmem:s14+$0x2900]  }
0x100: {  	v3 =	vld.idx.msk [tilespmem:v1+s4+$0x0], $0xffff  }
0x101: {  	v1 =	vld.idx.msk [tilespmem:v1+s5+$0x0], $0xffff;
	_ =	sdelay $0x3  }
0x102: {  	v2 =	vshll.u32 v2, $0x7  }
0x103: {  	v2 =	vadd.s32 v3, v2;
	[tilespmem:$0xA080] =	vst v1  }
0x104: {  	[tilespmem:$0xA000] =	vst v2  }
0x105: {  	v1 =	vld [tilespmem:s14+$0x110];
	_ =	sdelay $0x6  }
0x106: {  	v2 =	vld [tilespmem:s14+$0x2910]  }
0x107: {  	v3 =	vld.idx.msk [tilespmem:v1+s4+$0x0], $0xffff  }
0x108: {  	v1 =	vld.idx.msk [tilespmem:v1+s5+$0x0], $0xffff;
	_ =	sdelay $0x3  }
0x109: {  	v2 =	vshll.u32 v2, $0x7  }
0x10a: {  	v2 =	vadd.s32 v3, v2;
	[tilespmem:$0xA090] =	vst v1  }
0x10b: {  	[tilespmem:$0xA010] =	vst v2  }
0x10c: {  	v1 =	vld [tilespmem:s14+$0x120];
	_ =	sdelay $0x6  }
0x10d: {  	v2 =	vld [tilespmem:s14+$0x2920]  }
0x10e: {  	v3 =	vld.idx.msk [tilespmem:v1+s4+$0x0], $0xffff  }
0x10f: {  	v1 =	vld.idx.msk [tilespmem:v1+s5+$0x0], $0xffff;
	_ =	sdelay $0x3  }
0x110: {  	v2 =	vshll.u32 v2, $0x7  }
0x111: {  	v2 =	vadd.s32 v3, v2;
	[tilespmem:$0xA0A0] =	vst v1  }
0x112: {  	[tilespmem:$0xA020] =	vst v2  }
0x113: {  	v1 =	vld [tilespmem:s14+$0x130];
	_ =	sdelay $0x6  }
0x114: {  	v2 =	vld [tilespmem:s14+$0x2930]  }
0x115: {  	v3 =	vld.idx.msk [tilespmem:v1+s4+$0x0], $0xffff  }
0x116: {  	v1 =	vld.idx.msk [tilespmem:v1+s5+$0x0], $0xffff;
	_ =	sdelay $0x3  }
0x117: {  	v2 =	vshll.u32 v2, $0x7  }
0x118: {  	v2 =	vadd.s32 v3, v2;
	[tilespmem:$0xA0B0] =	vst v1  }
0x119: {  	[tilespmem:$0xA030] =	vst v2  }
0x11a: {  	v1 =	vld [tilespmem:s14+$0x140];
	_ =	sdelay $0x6  }
0x11b: {  	v2 =	vld [tilespmem:s14+$0x2940]  }
0x11c: {  	v3 =	vld.idx.msk [tilespmem:v1+s4+$0x0], $0xffff  }
0x11d: {  	v1 =	vld.idx.msk [tilespmem:v1+s5+$0x0], $0xffff;
	_ =	sdelay $0x3  }
0x11e: {  	v2 =	vshll.u32 v2, $0x7  }
0x11f: {  	v2 =	vadd.s32 v3, v2;
	[tilespmem:$0xA0C0] =	vst v1  }
0x120: {  	[tilespmem:$0xA040] =	vst v2  }
0x121: {  	v1 =	vld [tilespmem:s14+$0x150];
	_ =	sdelay $0x6  }
0x122: {  	v2 =	vld [tilespmem:s14+$0x2950]  }
0x123: {  	v3 =	vld.idx.msk [tilespmem:v1+s4+$0x0], $0xffff  }
0x124: {  	v1 =	vld.idx.msk [tilespmem:v1+s5+$0x0], $0xffff;
	_ =	sdelay $0x3  }
0x125: {  	v2 =	vshll.u32 v2, $0x7  }
0x126: {  	v2 =	vadd.s32 v3, v2;
	[tilespmem:$0xA0D0] =	vst v1  }
0x127: {  	[tilespmem:$0xA050] =	vst v2  }
0x128: {  	v1 =	vld [tilespmem:s14+$0x160];
	_ =	sdelay $0x6  }
0x129: {  	v2 =	vld [tilespmem:s14+$0x2960]  }
0x12a: {  	v3 =	vld.idx.msk [tilespmem:v1+s4+$0x0], $0xffff  }
0x12b: {  	v1 =	vld.idx.msk [tilespmem:v1+s5+$0x0], $0xffff;
	_ =	sdelay $0x3  }
0x12c: {  	v2 =	vshll.u32 v2, $0x7  }
0x12d: {  	v2 =	vadd.s32 v3, v2;
	[tilespmem:$0xA0E0] =	vst v1  }
0x12e: {  	[tilespmem:$0xA060] =	vst v2  }
0x12f: {  	v1 =	vld [tilespmem:s14+$0x170];
	_ =	sdelay $0x6  }
0x130: {  	v2 =	vld [tilespmem:s14+$0x2970]  }
0x131: {  	v3 =	vld.idx.msk [tilespmem:v1+s4+$0x0], $0xffff  }
0x132: {  	v1 =	vld.idx.msk [tilespmem:v1+s5+$0x0], $0xffff;
	_ =	sdelay $0x1  }
.Ltmp6:
0x133: {  	_ = 	snop;
	(pc) =	sbr.rel .LBB2_6-.Ltmp6, $4  }
0x134: {  	_ = 	snop  }
0x135: {  	v2 =	vshll.u32 v2, $0x7  }
0x136: {  	v2 =	vadd.s32 v3, v2;
	[tilespmem:$0xA0F0] =	vst v1  }
0x137: {  	[tilespmem:$0xA070] =	vst v2  }
.LBB2_8:
0x138: {  	_ =	sfence.sel $0x180000  }
0x139: {  	[bflag:$0x0] =	sbarrier.arrive $0xFFFF  }
0x13a: {  	_ =	strace $0x9000004A  }
0x13b: {  	s0 =	stileid.u32;
	[bflag:$0x2] =	sbarrier.arrive $0xFFFF  }
0x13c: {  	p0 =	sne.s32 s0, $0x0;
	s0 =	rddreg [dreg:$0x2]  }
0x13d: {  	s0 =	sadd.s32 @!p0 $0x100000, s0  }
0x13e: {  	[sflag:s0] =	ssyncadd.tile.s32 @!p0 $0x1;
	_ =	shalt  }
.Lfunc_end2:
_tile_overlayer_lowered:
.L_overlay_start_2:
0x13f: {  	(tag) =	ssettag $0x2  }
0x140: {  	s0 =	rddreg [dreg:$0x0];
	s2 =	stileid.u32  }
0x141: {  	s1 =	rddreg [dreg:$0x1];
	p0 =	sne.s32 s2, $0x0  }
0x142: {  	s3 =	rddreg [dreg:$0x2];
	[bflag:$0x3] =	sbarrier.arrive $0xFFFF;
	s2 =	simm.s32 @!p0 $0x1C02  }
0x143: {  	[timem:s3], [sflag:s2] =	dma.local @!p0 [hbm:s0], s1  }
0x144: {  	s0 =	simm.s32 @!p0 $0x2  }
0x145: {  	_ =	swait.ge @!p0 [sflag:s0], s1  }
0x146: {  	s1 =	ssub.s32 @!p0 $0x0, s1;
	[sflag:s0] =	ssyncset.done @!p0 $0x0  }
0x147: {  	[sflag:s0] =	ssyncadd.s32 @!p0 s1  }
0x148: {  	[bflag:$0x3] =	sbarrier.arrive $0xFFFF  }
0x149: {  	_ =	shalt  }

// kernel: kernel.14.cloned.1.call-start
scs
__scs_entry_jumppad:
0x0: {  	(pc) =	sbr.rel $0x88, $3  }
0x1: {  	(tag) =	ssettag $0x0;
	lr =	simm.s32 $0x1  }
0x2: {  	[smem:$0x3F9A] =	sst lr;
	_ =	strace $0xD0000000  }
0x3: {  	_ = 	snop  }
0x4: {  	_ = 	snop  }
0x5: {  	_ = 	snop  }
0x6: {  	_ = 	snop  }
0x7: {  	_ = 	snop  }
__scs_overlays_trampoline_lowered:
0x8: {  	[smem:$0x3FA9] =	sst s0  }
0x9: {  	[smem:$0x3FAA] =	sst s1  }
0xa: {  	[smem:$0x3FAB] =	sst s2  }
0xb: {  	[smem:$0x3FAC] =	sst s3  }
0xc: {  	[smem:$0x3FAD] =	sst s4  }
0xd: {  	[smem:$0x3FAE] =	sst s5  }
0xe: {  	[smem:$0x3FAF] =	sst s6  }
0xf: {  	[smem:$0x3FB0] =	sst s7  }
0x10: {  	[smem:$0x3FB1] =	sst s8  }
0x11: {  	[smem:$0x3FB2] =	sst s9;
	s0 =	simm.s32 @!p0 $0x0  }
0x12: {  	s1 =	sld [smem:$0x3F98];
	s0 =	simm.s32 @p0 $0x1  }
0x13: {  	[smem:$0x3FB3] =	sst s0;
	s0 =	simm.s32 @!p1 $0x0  }
0x14: {  	s2 =	sld [smem:$0x3F97];
	s0 =	simm.s32 @p1 $0x1  }
0x15: {  	[smem:$0x3FB4] =	sst s0;
	s0 =	simm.s32 @!p2 $0x0  }
0x16: {  	s3 =	sld [smem:$0x3FDB];
	s0 =	simm.s32 @p2 $0x1  }
0x17: {  	s4 =	simm.s32 $0x1BF5;
	[smem:$0x3FB6] =	sst s0  }
0x18: {  	s0 =	sld [smem:$0x3F99];
	_ =	swait.ge [sflag:s4], $0x0  }
0x19: {  	s7 =	sld [smem:$0x3F9A]  }
0x1a: {  	s8 =	sadd.s32 $0xFFFFE003, lr  }
0x1b: {  	s9 =	sadd.s32 $0xFFFFFEF7, lr;
	s5 =	simm.s32 $0xFFFFFFFF;
	p2 =	slt.u32 s8, $0xFFFFF086  }
0x1c: {  	p1 =	slt.u32 s9, $0xF7A;
	s5 =	simm.s32 @!p2 $0x0  }
0x1d: {  	s5 =	simm.s32 @p1 $0x1;
	p0 =	seq.s32 s7, s2  }
0x1e: {  	s7 =	smul.u32 @!p0 $0xF7A, s2;
	p2 =	seq.s32 @!p0 s5, $0x0  }
0x1f: {  	s9 =	smul.u32 $0xF7A, s1;
	s8 =	simm.s32 @!p0 $0x1BF5;
	p2 =	por !p2, p0  }
0x20: {  	[sflag:s8] =	ssyncset.s32 @!p0 $0xFFFFF086;
	s6 =	sadd.s32 @!p0 s3, s7;
	s7 =	simm.s32 @!p0 $0x108  }
0x21: {  	s3 =	sadd.s32 s3, s9;
	s6 =	sadd.s32 @!p0 $0x88, s6;
	s7 =	simm.s32 @p2 $0x1082  }
0x22: {  	[simem:s7], [sflag:s8] =	dma.local @!p0 [hbm:s6], $0xF7A  }
0x23: {  	s9 =	sor.u32 $0xD0000000, s2;
	s6 =	simm.s32 $0x108;
	_ =	swait.ge @!p0 [sflag:s8], $0x0  }
0x24: {  	s3 =	sadd.s32 $0x88, s3;
	s6 =	simm.s32 @!p1 $0x1082;
	[sflag:s4] =	ssyncset.s32 $0xFFFFF086  }
0x25: {  	[simem:s6], [sflag:s4] =	dma.local [hbm:s3], $0xF7A  }
0x26: {  	[smem:$0x3F9A] =	sst s1;
	(tag) =	ssettag s2;
	_ =	strace s9  }
0x27: {  	s1 =	sld [smem:$0x3FAA]  }
0x28: {  	s2 =	sld [smem:$0x3FAB]  }
0x29: {  	s4 =	sld [smem:$0x3FAD]  }
0x2a: {  	p0 =	seq.s32 s5, $0x0;
	s5 =	sld [smem:$0x3FAE]  }
0x2b: {  	s6 =	sld [smem:$0x3FAF]  }
0x2c: {  	s7 =	sld [smem:$0x3FB0]  }
0x2d: {  	s3 =	simm.s32 $0x108;
	s8 =	sld [smem:$0x3FB1]  }
0x2e: {  	s3 =	simm.s32 @!p0 $0x1082;
	s9 =	sld [smem:$0x3FB2]  }
0x2f: {  	lr =	sadd.s32 s0, s3;
	s0 =	sld [smem:$0x3FA9]  }
0x30: {  	s3 =	sld [smem:$0x3FAC]  }
0x31: {  	[smem:$0x3FB5] =	sst s10  }
0x32: {  	s10 =	sld [smem:$0x3FB3];
	_ =	sdelay $0x3  }
0x33: {  	p0 =	seq.s32 s10, $0x1;
	s10 =	sld [smem:$0x3FB5];
	_ =	sdelay $0x3  }
0x34: {  	[smem:$0x3FB5] =	sst s10  }
0x35: {  	s10 =	sld [smem:$0x3FB4];
	_ =	sdelay $0x3  }
0x36: {  	p1 =	seq.s32 s10, $0x1;
	s10 =	sld [smem:$0x3FB5];
	_ =	sdelay $0x3  }
0x37: {  	[smem:$0x3FB5] =	sst s10  }
0x38: {  	s10 =	sld [smem:$0x3FB6]  }
0x39: {  	_ = 	snop;
	(pc) =	sbr.ind lr, $3  }
0x3a: {  	_ = 	snop  }
0x3b: {  	_ = 	snop  }
0x3c: {  	p2 =	seq.s32 s10, $0x1;
	s10 =	sld [smem:$0x3FB5]  }
0x3d: {  	_ =	shalt  }
0x3e: {  	_ =	shalt  }
0x3f: {  	_ =	shalt  }
0x40: {  	_ =	shalt  }
0x41: {  	_ =	shalt  }
0x42: {  	_ =	shalt  }
0x43: {  	_ =	shalt  }
0x44: {  	_ =	shalt  }
0x45: {  	_ =	shalt  }
0x46: {  	_ =	shalt  }
0x47: {  	_ =	shalt  }
0x48: {  	_ =	shalt  }
0x49: {  	_ =	shalt  }
0x4a: {  	_ =	shalt  }
0x4b: {  	_ =	shalt  }
0x4c: {  	_ =	shalt  }
0x4d: {  	_ =	shalt  }
0x4e: {  	_ =	shalt  }
0x4f: {  	_ =	shalt  }
0x50: {  	_ =	shalt  }
0x51: {  	_ =	shalt  }
0x52: {  	_ =	shalt  }
0x53: {  	_ =	shalt  }
0x54: {  	_ =	shalt  }
0x55: {  	_ =	shalt  }
0x56: {  	_ =	shalt  }
0x57: {  	_ =	shalt  }
0x58: {  	_ =	shalt  }
0x59: {  	_ =	shalt  }
0x5a: {  	_ =	shalt  }
0x5b: {  	_ =	shalt  }
0x5c: {  	_ =	shalt  }
0x5d: {  	_ =	shalt  }
0x5e: {  	_ =	shalt  }
0x5f: {  	_ =	shalt  }
0x60: {  	_ =	shalt  }
0x61: {  	_ =	shalt  }
0x62: {  	_ =	shalt  }
0x63: {  	_ =	shalt  }
0x64: {  	_ =	shalt  }
0x65: {  	_ =	shalt  }
0x66: {  	_ =	shalt  }
0x67: {  	_ =	shalt  }
0x68: {  	_ =	shalt  }
0x69: {  	_ =	shalt  }
0x6a: {  	_ =	shalt  }
0x6b: {  	_ =	shalt  }
0x6c: {  	_ =	shalt  }
0x6d: {  	_ =	shalt  }
0x6e: {  	_ =	shalt  }
0x6f: {  	_ =	shalt  }
0x70: {  	_ =	shalt  }
0x71: {  	_ =	shalt  }
0x72: {  	_ =	shalt  }
0x73: {  	_ =	shalt  }
0x74: {  	_ =	shalt  }
0x75: {  	_ =	shalt  }
0x76: {  	_ =	shalt  }
0x77: {  	_ =	shalt  }
0x78: {  	_ =	shalt  }
0x79: {  	_ =	shalt  }
0x7a: {  	_ =	shalt  }
0x7b: {  	_ =	shalt  }
0x7c: {  	_ =	shalt  }
0x7d: {  	_ =	shalt  }
0x7e: {  	_ =	shalt  }
0x7f: {  	_ =	shalt  }
0x80: {  	_ =	shalt  }
0x81: {  	_ =	shalt  }
0x82: {  	_ =	shalt  }
0x83: {  	_ =	shalt  }
0x84: {  	_ =	shalt  }
0x85: {  	_ =	shalt  }
0x86: {  	_ =	shalt  }
0x87: {  	_ =	shalt  }
.Lfunc_end0:
.L_simem_size_0:
called_computation.2_lowered:
.L_overlay_start_0:
0x88: {  	s2 =	sld [smem:$0x3FD9]  }
0x89: {  	s3 =	sld [smem:$0x3FFE];
	_ =	sdelay $0x1  }
0x8a: {  	s1 =	srdreg.scid  }
0x8b: {  	s0 =	sand.u32 $0x1, s1  }
0x8c: {  	s16 =	sshll.u32 s0, $0xA;
	s2 =	sadd.s32 s3, s2  }
0x8d: {  	s2 =	sadd.s32 s2, s16  }
0x8e: {  	[smem:$0x3FC1] =	sst s2  }
0x8f: {  	_ = 	snop  }
0x90: {  	(tm) =	ssettm $0x1  }
0x91: {  	s17 =	sld [smem:$0x3FFB];
	_ =	sdelay $0x3  }
0x92: {  	_ =	strace s17  }
0x93: {  	s2 =	sld [smem:$0x3FFC];
	_ =	sdelay $0x3  }
0x94: {  	_ =	strace s2  }
0x95: {  	s2 =	sld [smem:$0x3FFD];
	_ =	sdelay $0x3  }
0x96: {  	_ =	strace s2  }
0x97: {  	_ =	strace $0x8FFFFFFF  }
0x98: {  	s18 =	sld [smem:$0x3FDB];
	_ =	sdelay $0x1  }
0x99: {  	s19 =	simm.s32 $_scs_section_size  }
0x9a: {  	s4 =	simm.s32 $_size__tile_overlayer_lowered;
	s5 =	simm.s32 $_tile_overlayer_lowered  }
0x9b: {  	s22 =	simm.s32 $0x1BFF;
	s21 =	sshll.u32 s5, $0x1;
	s2 =	sadd.s32 s19, s18  }
0x9c: {  	s6 =	simm.s32 $0x0;
	s20 =	sshll.u32 s4, $0x1;
	s4 =	sadd.s32 s21, s2  }
0x9d: {  	[timem:s6], [sflag:s22] =	dma.local [hbm:s4], s20  }
0x9e: {  	_ =	swait.ge [sflag:s22], s20  }
0x9f: {  	s3 =	ssub.s32 $0x0, s20;
	[sflag:s22] =	ssyncset.done $0x0  }
0xa0: {  	[sflag:s22] =	ssyncadd.s32 s3;
	_ =	sdelay $0x1  }
0xa1: {  	s23 =	simm.s32 $0x1B8B  }
0xa2: {  	_ =	swait.ge [sflag:s23], $0x1  }
0xa3: {  	[sflag:s23] =	ssyncset.done $0x0  }
0xa4: {  	s25 =	simm.s32 $0x1B8E;
	s24 =	sld [smem:$0x3FFE];
	[sflag:s23] =	ssyncadd.s32 $0xFFFFFFFF  }
0xa5: {  	s26 =	simm.s32 $execute0_lowered;
	[smem:$0x3FD2] =	sst s25  }
0xa6: {  	s4 =	sshll.u32 s26, $0x1;
	_ =	strace $0x8000004C;
	[dreg:$0x1] =	wrdreg $0xFFFFFFFF  }
0xa7: {  	s28 =	simm.s32 $_size_execute0_lowered;
	s2 =	sadd.s32 s2, s4;
	[dreg:$0x0] =	wrdreg $0x0  }
0xa8: {  	s4 =	sshll.u32 s28, $0x1;
	[dreg:$0x2] =	wrdreg s2  }
0xa9: {  	[dreg:$0x3] =	wrdreg s4  }
0xaa: {  	[dreg:$0x4] =	wrdreg $0xC0  }
0xab: {  	_ =	task [dreg:s6], $0x5FFFF  }
0xac: {  	[dreg:$0x1] =	wrdreg $0xFFFFFFFF  }
0xad: {  	[dreg:$0x0] =	wrdreg $0x60  }
0xae: {  	[dreg:$0x2] =	wrdreg s24  }
0xaf: {  	[dreg:$0x3] =	wrdreg $0xA4000  }
0xb0: {  	[dreg:$0x4] =	wrdreg $0x9  }
0xb1: {  	_ =	task.clear_ibuf [dreg:s6], $0x5FFFF;
	_ =	strace $0x9000004C  }
0xb2: {  	s29 =	simm.s32 $0x9;
	_ =	strace $0x8000004E  }
0xb3: {  	_ =	swait.ge [sflag:s29], $0x1  }
0xb4: {  	[sflag:s29] =	ssyncadd.s32 $0xFFFFFFFF  }
0xb5: {  	_ =	strace $0x9000004E  }
0xb6: {  	_ =	sfence  }
0xb7: {  	s30 =	sld [smem:$0x0];
	_ =	sdelay $0x2  }
0xb8: {  	s31 =	sshll.u32 s1, $0xD;
	s1 =	sshrl.u32 s1, $0x2  }
0xb9: {  	s3 =	sand.u32 $0x4000, s31;
	s1 =	sadd.s32 s1, s30  }
0xba: {  	s0 =	sor.u32 s3, s0;
	s1 =	sshll.u32 s1, $0x11  }
0xbb: {  	s0 =	sor.u32 s1, s0  }
0xbc: {  	s0 =	sadd.s32 $0x8F2B, s0  }
0xbd: {  	[sflag:s0] =	ssyncadd.remote.s32 $0x1  }
0xbe: {  	_ =	sfence.sel $0xFFFF  }
0xbf: {  	[dreg:$0x0] =	wrdreg $0xFFFFFFFF;
	(pc) =	sbr.abs _section_cstart, $3  }
0xc0: {  	[dreg:$0x1] =	wrdreg $0xFFFFFFFF  }
0xc1: {  	_ =	task.clear_ibuf [dreg:s6], $0x2FFFF;
	_ =	strace $0x9FFFFFFF  }
0xc2: {  	(tm) =	ssettm $0x7FFFFFFF  }
0xc3: {  	_ =	shalt  }
tec
execute0_lowered:
.L_overlay_start_1:
0x0: {  	(tag) =	ssettag $0x1  }
0x1: {  	s5 =	rddreg [dreg:$0x0]  }
0x2: {  	s2 =	rddreg [dreg:$0x1]  }
0x3: {  	s0 =	rddreg [dreg:$0x2];
	s1 =	stileid.u32;
	s3 =	simm.s32 $0x0  }
0x4: {  	s4 =	srdreg.scid;
	s15 =	simm.s32 $0x6400;
	s6 =	smul.u32 $0x3C, s1  }
0x5: {  	s16 =	simm.s32 $0x2;
	s7 =	sand.u32 $0x1, s4;
	s4 =	smul.u32 $0x64, s1  }
0x6: {  	s17 =	simm.s32 $0x80;
	s18 =	simm.s32 $0x1;
	s10 =	smul.u32 $0x14000, s1  }
0x7: {  	[smem:$0x7FF] =	sst s3;
	s29 =	smul.u32 $0x50000, s1;
	p0 =	seq.s32 s7, $0x0  }
0x8: {  	s8 =	smul.u32 $0x140000, s7;
	_ =	strace $0x8000004D;
	s7 =	ssub.s32 $0x2, s7  }
0x9: {  	s6 =	sadd.s32 $0x640, s6;
	s30 =	sshrl.u32 s7, $0x1;
	s31 =	sshrl.u32 s29, $0x2  }
0xa: {  	s19 =	sadd.s32 s10, s2;
	s6 =	smov.u32 @p0 s4;
	s28 =	sadd.s32 s10, s8  }
0xb: {  	s12 =	ssub.s32 s7, s30;
	s19 =	sshrl.u32 s19, $0x3;
	s4 =	sshll.u32 s6, $0x4  }
0xc: {  	s6 =	sshrl.u32 s28, $0x3;
	s10 =	smax.u32 s12, $0x1;
	s9 =	sadd.s32 s4, s5  }
0xd: {  	s4 =	sadd.s32 $0x16A00, s5;
	s11 =	sadd.s32 s6, s5;
	s6 =	simm.s32 $0x64  }
0xe: {  	s5 =	sadd.s32 s31, s2;
	s6 =	simm.s32 @!p0 $0x3C;
	s7 =	sadd.s32 $0xC600, s9  }
0xf: {  	s8 =	sadd.s32 $0x2200, s9;
	s9 =	sadd.s32 $0x3EA00, s11;
	s11 =	sadd.s32 $0x4000, s5  }
0x10: {  	v0 =	vimm.f32 $0.0e+00;
	s12 =	sadd.s32 $0x8000, s5;
	s13 =	sadd.s32 $0xC000, s5;
	s14 =	sadd.s32 $0x10000, s5  }
.LBB2_1:
0x11: {  	s20 =	simm.s32 $0x0;
	s21 =	simm.s32 $0x200  }
.LBB2_2:
0x12: {  	p0 =	sne.s32 s21, $0xFE00;
	[tilespmem:s20+$0x6470] =	vst v0  }
0x13: {  	[tilespmem:s20+$0x6400] =	vst v0  }
0x14: {  	[tilespmem:s20+$0x6410] =	vst v0  }
.Ltmp0:
0x15: {  	[tilespmem:s20+$0x6420] =	vst v0;
	(pc) =	sbr.rel @p0 .LBB2_2-.Ltmp0, $4  }
0x16: {  	[tilespmem:s20+$0x6430] =	vst v0  }
0x17: {  	[tilespmem:s20+$0x6440] =	vst v0  }
0x18: {  	[tilespmem:s20+$0x6450] =	vst v0  }
0x19: {  	[tilespmem:s20+$0x6460] =	vst v0;
	s20 =	sshra.s32 s21, $0x2;
	s21 =	sadd.s32 $0x200, s21  }
0x1a: {  	[tilespmem:s20+$0x6470] =	vst v0  }
0x1b: {  	[tilespmem:s20+$0x6400] =	vst v0  }
0x1c: {  	[tilespmem:s20+$0x6410] =	vst v0  }
0x1d: {  	[tilespmem:s20+$0x6420] =	vst v0  }
0x1e: {  	[tilespmem:s20+$0x6430] =	vst v0  }
0x1f: {  	[tilespmem:s20+$0x6440] =	vst v0  }
0x20: {  	[tilespmem:s20+$0x6450] =	vst v0  }
0x21: {  	[tilespmem:s20+$0x6460] =	vst v0  }
0x22: {  	[spmem:s5] =	stream.linear.scatter [tilespmem:s15], [sflag:$0x2], $0x4000, $0x38;
	[tilespmem:$0x1E400] =	vst v63  }
0x23: {  	_ =	swait.ge [sflag:s16], $0x4000  }
0x24: {  	[sflag:s16] =	ssyncset.done $0x0  }
0x25: {  	[sflag:s16] =	ssyncadd.s32 $0xFFFFC000  }
0x26: {  	[spmem:s11] =	stream.linear.scatter [tilespmem:s15], [sflag:$0x2], $0x4000, $0x38;
	[tilespmem:$0x1E400] =	vst v63  }
0x27: {  	_ =	swait.ge [sflag:s16], $0x4000  }
0x28: {  	[sflag:s16] =	ssyncset.done $0x0  }
0x29: {  	[sflag:s16] =	ssyncadd.s32 $0xFFFFC000  }
0x2a: {  	[spmem:s12] =	stream.linear.scatter [tilespmem:s15], [sflag:$0x2], $0x4000, $0x38;
	[tilespmem:$0x1E400] =	vst v63  }
0x2b: {  	_ =	swait.ge [sflag:s16], $0x4000  }
0x2c: {  	[sflag:s16] =	ssyncset.done $0x0  }
0x2d: {  	[sflag:s16] =	ssyncadd.s32 $0xFFFFC000  }
0x2e: {  	[spmem:s13] =	stream.linear.scatter [tilespmem:s15], [sflag:$0x2], $0x4000, $0x38;
	[tilespmem:$0x1E400] =	vst v63  }
0x2f: {  	_ =	swait.ge [sflag:s16], $0x4000  }
0x30: {  	[sflag:s16] =	ssyncset.done $0x0  }
0x31: {  	[sflag:s16] =	ssyncadd.s32 $0xFFFFC000  }
0x32: {  	[spmem:s14] =	stream.linear.scatter [tilespmem:s15], [sflag:$0x2], $0x4000, $0x38;
	[tilespmem:$0x1E400] =	vst v63  }
0x33: {  	_ =	swait.ge [sflag:s16], $0x4000  }
0x34: {  	[sflag:s16] =	ssyncset.done $0x0  }
0x35: {  	s20 =	simm.s32 $0x0;
	[sflag:s16] =	ssyncadd.s32 $0xFFFFC000  }
0x36: {  	[tilespmem:s20], [sflag:$0x2] =	stream.linear.gather [hbm4b:s7+s20], $0x3200, $0x38;
	[tilespmem:$0x1E400] =	vst v63  }
0x37: {  	_ =	swait.ge [sflag:s16], $0x3200  }
0x38: {  	[sflag:s16] =	ssyncset.done $0x0  }
0x39: {  	s21 =	simm.s32 $0x3200;
	[sflag:s16] =	ssyncadd.s32 $0xFFFFCE00  }
0x3a: {  	[tilespmem:s21], [sflag:$0x2] =	stream.linear.gather [hbm4b:s8+s20], $0x3200, $0x38;
	[tilespmem:$0x1E400] =	vst v63  }
0x3b: {  	_ =	swait.ge [sflag:s16], $0x3200  }
0x3c: {  	[sflag:s16] =	ssyncset.done $0x0  }
0x3d: {  	[sflag:s16] =	ssyncadd.s32 $0xFFFFCE00  }
0x3e: {  	[bflag:$0x0] =	sbarrier.arrive $0xFFFF  }
0x3f: {  	[tilespmem:s15], [sflag:$0x1] =	stream.indirect.gather [hbm4b:s4+s17], $0x80, s20, s17, $0xb8;
	[tilespmem:$0x1E400] =	vst v63  }
0x40: {  	p0 =	sne.s32 s6, $0x1;
	_ =	swait.ge [sflag:s18], $0x4000  }
.Ltmp1:
0x41: {  	[sflag:s18] =	ssyncset.done $0x0;
	(pc) =	sbr.rel @!p0 .LBB2_5-.Ltmp1, $4  }
0x42: {  	[sflag:s18] =	ssyncadd.s32 $0xFFFFC000  }
0x43: {  	[spmem:s2] =	stream.indirect.scatter.add.f32 [tilespmem:s15], [sflag:$0x2], $0x80, s21, s17, $0xb8;
	[tilespmem:$0x1E400] =	vst v63  }
0x44: {  	_ =	swait.ge [sflag:s16], $0x4000  }
0x45: {  	s22 =	sadd.s32 $0xFFFFFFFF, s6;
	[sflag:s16] =	ssyncset.done $0x0  }
.LBB2_4:
0x46: {  	[sflag:s16] =	ssyncadd.s32 $0xFFFFC000;
	s20 =	sadd.s32 $0x80, s20;
	s21 =	sadd.s32 $0x80, s21  }
0x47: {  	[tilespmem:s15], [sflag:$0x1] =	stream.indirect.gather [hbm4b:s4+s17], $0x80, s20, s17, $0xb8;
	[tilespmem:$0x1E400] =	vst v63  }
0x48: {  	p0 =	sne.s32 s22, $0x1;
	s22 =	sadd.s32 $0xFFFFFFFF, s22;
	_ =	swait.ge [sflag:s18], $0x4000  }
.Ltmp2:
0x49: {  	[sflag:s18] =	ssyncset.done $0x0;
	(pc) =	sbr.rel @p0 .LBB2_4-.Ltmp2, $4  }
0x4a: {  	[sflag:s18] =	ssyncadd.s32 $0xFFFFC000  }
0x4b: {  	[spmem:s2] =	stream.indirect.scatter.add.f32 [tilespmem:s15], [sflag:$0x2], $0x80, s21, s17, $0xb8;
	[tilespmem:$0x1E400] =	vst v63  }
0x4c: {  	_ =	swait.ge [sflag:s16], $0x4000  }
0x4d: {  	[sflag:s16] =	ssyncset.done $0x0  }
.LBB2_5:
0x4e: {  	s3 =	sadd.s32 $0x1, s3  }
0x4f: {  	[sflag:s16] =	ssyncadd.s32 $0xFFFFC000;
	s20 =	sshll.u32 s1, $0x6;
	p0 =	sne.s32 s3, s10  }
.Ltmp3:
0x50: {  	[bflag:$0x0] =	sbarrier.arrive $0xFFFF;
	s20 =	sor.u32 $0x1C02, s20;
	(pc) =	sbr.rel @p0 .LBB2_1-.Ltmp3, $4  }
0x51: {  	[hbm:s9], [sflag:s20] =	dma.local [spmem:s19], $0x2800  }
0x52: {  	_ =	swait.ge [sflag:s16], $0x2800  }
0x53: {  	[sflag:s16] =	ssyncset.done $0x0  }
0x54: {  	[sflag:s16] =	ssyncadd.s32 $0xFFFFD800  }
0x55: {  	_ =	sfence.sel $0x180000  }
0x56: {  	[bflag:$0x0] =	sbarrier.arrive $0xFFFF  }
0x57: {  	p0 =	sne.s32 s1, $0x0;
	_ =	strace $0x9000004D  }
0x58: {  	s0 =	sadd.s32 @!p0 $0x100000, s0;
	[bflag:$0x2] =	sbarrier.arrive $0xFFFF  }
0x59: {  	[sflag:s0] =	ssyncadd.tile.s32 @!p0 $0x1;
	_ =	shalt  }
.Lfunc_end2:
_tile_overlayer_lowered:
.L_overlay_start_2:
0x5a: {  	(tag) =	ssettag $0x2  }
0x5b: {  	s0 =	rddreg [dreg:$0x0];
	s2 =	stileid.u32  }
0x5c: {  	s1 =	rddreg [dreg:$0x1];
	p0 =	sne.s32 s2, $0x0  }
0x5d: {  	s3 =	rddreg [dreg:$0x2];
	[bflag:$0x3] =	sbarrier.arrive $0xFFFF;
	s2 =	simm.s32 @!p0 $0x1C02  }
0x5e: {  	[timem:s3], [sflag:s2] =	dma.local @!p0 [hbm:s0], s1  }
0x5f: {  	s0 =	simm.s32 @!p0 $0x2  }
0x60: {  	_ =	swait.ge @!p0 [sflag:s0], s1  }
0x61: {  	s1 =	ssub.s32 @!p0 $0x0, s1;
	[sflag:s0] =	ssyncset.done @!p0 $0x0  }
0x62: {  	[sflag:s0] =	ssyncadd.s32 @!p0 s1  }
0x63: {  	[bflag:$0x3] =	sbarrier.arrive $0xFFFF  }
0x64: {  	_ =	shalt  }

// kernel: kernel.8.cloned.1.call-start
scs
__scs_entry_jumppad:
0x0: {  	(pc) =	sbr.rel $0x88, $3  }
0x1: {  	(tag) =	ssettag $0x0;
	lr =	simm.s32 $0x1  }
0x2: {  	[smem:$0x3F9A] =	sst lr;
	_ =	strace $0xD0000000  }
0x3: {  	_ = 	snop  }
0x4: {  	_ = 	snop  }
0x5: {  	_ = 	snop  }
0x6: {  	_ = 	snop  }
0x7: {  	_ = 	snop  }
__scs_overlays_trampoline_lowered:
0x8: {  	[smem:$0x3FA9] =	sst s0  }
0x9: {  	[smem:$0x3FAA] =	sst s1  }
0xa: {  	[smem:$0x3FAB] =	sst s2  }
0xb: {  	[smem:$0x3FAC] =	sst s3  }
0xc: {  	[smem:$0x3FAD] =	sst s4  }
0xd: {  	[smem:$0x3FAE] =	sst s5  }
0xe: {  	[smem:$0x3FAF] =	sst s6  }
0xf: {  	[smem:$0x3FB0] =	sst s7  }
0x10: {  	[smem:$0x3FB1] =	sst s8  }
0x11: {  	[smem:$0x3FB2] =	sst s9;
	s0 =	simm.s32 @!p0 $0x0  }
0x12: {  	s1 =	sld [smem:$0x3F98];
	s0 =	simm.s32 @p0 $0x1  }
0x13: {  	[smem:$0x3FB3] =	sst s0;
	s0 =	simm.s32 @!p1 $0x0  }
0x14: {  	s2 =	sld [smem:$0x3F97];
	s0 =	simm.s32 @p1 $0x1  }
0x15: {  	[smem:$0x3FB4] =	sst s0;
	s0 =	simm.s32 @!p2 $0x0  }
0x16: {  	s3 =	sld [smem:$0x3FDB];
	s0 =	simm.s32 @p2 $0x1  }
0x17: {  	s4 =	simm.s32 $0x1BF5;
	[smem:$0x3FB6] =	sst s0  }
0x18: {  	s0 =	sld [smem:$0x3F99];
	_ =	swait.ge [sflag:s4], $0x0  }
0x19: {  	s7 =	sld [smem:$0x3F9A]  }
0x1a: {  	s8 =	sadd.s32 $0xFFFFE003, lr  }
0x1b: {  	s9 =	sadd.s32 $0xFFFFFEF7, lr;
	s5 =	simm.s32 $0xFFFFFFFF;
	p2 =	slt.u32 s8, $0xFFFFF086  }
0x1c: {  	p1 =	slt.u32 s9, $0xF7A;
	s5 =	simm.s32 @!p2 $0x0  }
0x1d: {  	s5 =	simm.s32 @p1 $0x1;
	p0 =	seq.s32 s7, s2  }
0x1e: {  	s7 =	smul.u32 @!p0 $0xF7A, s2;
	p2 =	seq.s32 @!p0 s5, $0x0  }
0x1f: {  	s9 =	smul.u32 $0xF7A, s1;
	s8 =	simm.s32 @!p0 $0x1BF5;
	p2 =	por !p2, p0  }
0x20: {  	[sflag:s8] =	ssyncset.s32 @!p0 $0xFFFFF086;
	s6 =	sadd.s32 @!p0 s3, s7;
	s7 =	simm.s32 @!p0 $0x108  }
0x21: {  	s3 =	sadd.s32 s3, s9;
	s6 =	sadd.s32 @!p0 $0x88, s6;
	s7 =	simm.s32 @p2 $0x1082  }
0x22: {  	[simem:s7], [sflag:s8] =	dma.local @!p0 [hbm:s6], $0xF7A  }
0x23: {  	s9 =	sor.u32 $0xD0000000, s2;
	s6 =	simm.s32 $0x108;
	_ =	swait.ge @!p0 [sflag:s8], $0x0  }
0x24: {  	s3 =	sadd.s32 $0x88, s3;
	s6 =	simm.s32 @!p1 $0x1082;
	[sflag:s4] =	ssyncset.s32 $0xFFFFF086  }
0x25: {  	[simem:s6], [sflag:s4] =	dma.local [hbm:s3], $0xF7A  }
0x26: {  	[smem:$0x3F9A] =	sst s1;
	(tag) =	ssettag s2;
	_ =	strace s9  }
0x27: {  	s1 =	sld [smem:$0x3FAA]  }
0x28: {  	s2 =	sld [smem:$0x3FAB]  }
0x29: {  	s4 =	sld [smem:$0x3FAD]  }
0x2a: {  	p0 =	seq.s32 s5, $0x0;
	s5 =	sld [smem:$0x3FAE]  }
0x2b: {  	s6 =	sld [smem:$0x3FAF]  }
0x2c: {  	s7 =	sld [smem:$0x3FB0]  }
0x2d: {  	s3 =	simm.s32 $0x108;
	s8 =	sld [smem:$0x3FB1]  }
0x2e: {  	s3 =	simm.s32 @!p0 $0x1082;
	s9 =	sld [smem:$0x3FB2]  }
0x2f: {  	lr =	sadd.s32 s0, s3;
	s0 =	sld [smem:$0x3FA9]  }
0x30: {  	s3 =	sld [smem:$0x3FAC]  }
0x31: {  	[smem:$0x3FB5] =	sst s10  }
0x32: {  	s10 =	sld [smem:$0x3FB3];
	_ =	sdelay $0x3  }
0x33: {  	p0 =	seq.s32 s10, $0x1;
	s10 =	sld [smem:$0x3FB5];
	_ =	sdelay $0x3  }
0x34: {  	[smem:$0x3FB5] =	sst s10  }
0x35: {  	s10 =	sld [smem:$0x3FB4];
	_ =	sdelay $0x3  }
0x36: {  	p1 =	seq.s32 s10, $0x1;
	s10 =	sld [smem:$0x3FB5];
	_ =	sdelay $0x3  }
0x37: {  	[smem:$0x3FB5] =	sst s10  }
0x38: {  	s10 =	sld [smem:$0x3FB6]  }
0x39: {  	_ = 	snop;
	(pc) =	sbr.ind lr, $3  }
0x3a: {  	_ = 	snop  }
0x3b: {  	_ = 	snop  }
0x3c: {  	p2 =	seq.s32 s10, $0x1;
	s10 =	sld [smem:$0x3FB5]  }
0x3d: {  	_ =	shalt  }
0x3e: {  	_ =	shalt  }
0x3f: {  	_ =	shalt  }
0x40: {  	_ =	shalt  }
0x41: {  	_ =	shalt  }
0x42: {  	_ =	shalt  }
0x43: {  	_ =	shalt  }
0x44: {  	_ =	shalt  }
0x45: {  	_ =	shalt  }
0x46: {  	_ =	shalt  }
0x47: {  	_ =	shalt  }
0x48: {  	_ =	shalt  }
0x49: {  	_ =	shalt  }
0x4a: {  	_ =	shalt  }
0x4b: {  	_ =	shalt  }
0x4c: {  	_ =	shalt  }
0x4d: {  	_ =	shalt  }
0x4e: {  	_ =	shalt  }
0x4f: {  	_ =	shalt  }
0x50: {  	_ =	shalt  }
0x51: {  	_ =	shalt  }
0x52: {  	_ =	shalt  }
0x53: {  	_ =	shalt  }
0x54: {  	_ =	shalt  }
0x55: {  	_ =	shalt  }
0x56: {  	_ =	shalt  }
0x57: {  	_ =	shalt  }
0x58: {  	_ =	shalt  }
0x59: {  	_ =	shalt  }
0x5a: {  	_ =	shalt  }
0x5b: {  	_ =	shalt  }
0x5c: {  	_ =	shalt  }
0x5d: {  	_ =	shalt  }
0x5e: {  	_ =	shalt  }
0x5f: {  	_ =	shalt  }
0x60: {  	_ =	shalt  }
0x61: {  	_ =	shalt  }
0x62: {  	_ =	shalt  }
0x63: {  	_ =	shalt  }
0x64: {  	_ =	shalt  }
0x65: {  	_ =	shalt  }
0x66: {  	_ =	shalt  }
0x67: {  	_ =	shalt  }
0x68: {  	_ =	shalt  }
0x69: {  	_ =	shalt  }
0x6a: {  	_ =	shalt  }
0x6b: {  	_ =	shalt  }
0x6c: {  	_ =	shalt  }
0x6d: {  	_ =	shalt  }
0x6e: {  	_ =	shalt  }
0x6f: {  	_ =	shalt  }
0x70: {  	_ =	shalt  }
0x71: {  	_ =	shalt  }
0x72: {  	_ =	shalt  }
0x73: {  	_ =	shalt  }
0x74: {  	_ =	shalt  }
0x75: {  	_ =	shalt  }
0x76: {  	_ =	shalt  }
0x77: {  	_ =	shalt  }
0x78: {  	_ =	shalt  }
0x79: {  	_ =	shalt  }
0x7a: {  	_ =	shalt  }
0x7b: {  	_ =	shalt  }
0x7c: {  	_ =	shalt  }
0x7d: {  	_ =	shalt  }
0x7e: {  	_ =	shalt  }
0x7f: {  	_ =	shalt  }
0x80: {  	_ =	shalt  }
0x81: {  	_ =	shalt  }
0x82: {  	_ =	shalt  }
0x83: {  	_ =	shalt  }
0x84: {  	_ =	shalt  }
0x85: {  	_ =	shalt  }
0x86: {  	_ =	shalt  }
0x87: {  	_ =	shalt  }
.Lfunc_end0:
.L_simem_size_0:
called_computation_lowered:
.L_overlay_start_0:
0x88: {  	s2 =	sld [smem:$0x3FD9]  }
0x89: {  	s3 =	sld [smem:$0x3FFE];
	_ =	sdelay $0x1  }
0x8a: {  	s1 =	srdreg.scid  }
0x8b: {  	s0 =	sand.u32 $0x1, s1  }
0x8c: {  	s16 =	sshll.u32 s0, $0xA;
	s2 =	sadd.s32 s3, s2  }
0x8d: {  	s2 =	sadd.s32 s2, s16  }
0x8e: {  	[smem:$0x3FC1] =	sst s2  }
0x8f: {  	_ = 	snop  }
0x90: {  	(tm) =	ssettm $0x1  }
0x91: {  	s17 =	sld [smem:$0x3FFB];
	_ =	sdelay $0x3  }
0x92: {  	_ =	strace s17  }
0x93: {  	s2 =	sld [smem:$0x3FFC];
	_ =	sdelay $0x3  }
0x94: {  	_ =	strace s2  }
0x95: {  	s2 =	sld [smem:$0x3FFD];
	_ =	sdelay $0x3  }
0x96: {  	_ =	strace s2  }
0x97: {  	_ =	strace $0x8FFFFFFF  }
0x98: {  	s18 =	sld [smem:$0x3FDB];
	_ =	sdelay $0x1  }
0x99: {  	s19 =	simm.s32 $_scs_section_size  }
0x9a: {  	s4 =	simm.s32 $_size__tile_overlayer_lowered;
	s5 =	simm.s32 $_tile_overlayer_lowered  }
0x9b: {  	s22 =	simm.s32 $0x1BFF;
	s21 =	sshll.u32 s5, $0x1;
	s2 =	sadd.s32 s19, s18  }
0x9c: {  	s6 =	simm.s32 $0x0;
	s20 =	sshll.u32 s4, $0x1;
	s4 =	sadd.s32 s21, s2  }
0x9d: {  	[timem:s6], [sflag:s22] =	dma.local [hbm:s4], s20  }
0x9e: {  	_ =	swait.ge [sflag:s22], s20  }
0x9f: {  	s3 =	ssub.s32 $0x0, s20;
	[sflag:s22] =	ssyncset.done $0x0  }
0xa0: {  	[sflag:s22] =	ssyncadd.s32 s3;
	_ =	sdelay $0x1  }
0xa1: {  	s23 =	simm.s32 $0x1B8B  }
0xa2: {  	_ =	swait.ge [sflag:s23], $0x1  }
0xa3: {  	[sflag:s23] =	ssyncset.done $0x0  }
0xa4: {  	s25 =	simm.s32 $0x1B8E;
	s24 =	sld [smem:$0x3FFE];
	[sflag:s23] =	ssyncadd.s32 $0xFFFFFFFF  }
0xa5: {  	s26 =	simm.s32 $execute0_lowered;
	[smem:$0x3FD2] =	sst s25  }
0xa6: {  	s4 =	sshll.u32 s26, $0x1;
	_ =	strace $0x80000046;
	[dreg:$0x1] =	wrdreg $0xFFFFFFFF  }
0xa7: {  	s28 =	simm.s32 $_size_execute0_lowered;
	s2 =	sadd.s32 s2, s4;
	[dreg:$0x0] =	wrdreg $0x0  }
0xa8: {  	s4 =	sshll.u32 s28, $0x1;
	[dreg:$0x2] =	wrdreg s2  }
0xa9: {  	[dreg:$0x3] =	wrdreg s4  }
0xaa: {  	[dreg:$0x4] =	wrdreg $0xC0  }
0xab: {  	_ =	task [dreg:s6], $0x5FFFF  }
0xac: {  	[dreg:$0x1] =	wrdreg $0xFFFFFFFF  }
0xad: {  	[dreg:$0x0] =	wrdreg $0x60  }
0xae: {  	[dreg:$0x2] =	wrdreg s24  }
0xaf: {  	[dreg:$0x3] =	wrdreg $0x53000  }
0xb0: {  	[dreg:$0x4] =	wrdreg $0x9  }
0xb1: {  	_ =	task.clear_ibuf [dreg:s6], $0x5FFFF;
	_ =	strace $0x90000046  }
0xb2: {  	s29 =	simm.s32 $0x9;
	_ =	strace $0x80000048  }
0xb3: {  	_ =	swait.ge [sflag:s29], $0x1  }
0xb4: {  	[sflag:s29] =	ssyncadd.s32 $0xFFFFFFFF  }
0xb5: {  	_ =	strace $0x90000048  }
0xb6: {  	_ =	sfence  }
0xb7: {  	s30 =	sld [smem:$0x0];
	_ =	sdelay $0x2  }
0xb8: {  	s31 =	sshll.u32 s1, $0xD;
	s1 =	sshrl.u32 s1, $0x2  }
0xb9: {  	s3 =	sand.u32 $0x4000, s31;
	s1 =	sadd.s32 s1, s30  }
0xba: {  	s0 =	sor.u32 s3, s0;
	s1 =	sshll.u32 s1, $0x11  }
0xbb: {  	s0 =	sor.u32 s1, s0  }
0xbc: {  	s0 =	sadd.s32 $0x8F2B, s0  }
0xbd: {  	[sflag:s0] =	ssyncadd.remote.s32 $0x1  }
0xbe: {  	_ =	sfence.sel $0xFFFF  }
0xbf: {  	[dreg:$0x0] =	wrdreg $0xFFFFFFFF;
	(pc) =	sbr.abs _section_cstart, $3  }
0xc0: {  	[dreg:$0x1] =	wrdreg $0xFFFFFFFF  }
0xc1: {  	_ =	task.clear_ibuf [dreg:s6], $0x2FFFF;
	_ =	strace $0x9FFFFFFF  }
0xc2: {  	(tm) =	ssettm $0x7FFFFFFF  }
0xc3: {  	_ =	shalt  }
tec
execute0_lowered:
.L_overlay_start_1:
0x0: {  	(tag) =	ssettag $0x1  }
0x1: {  	s4 =	rddreg [dreg:$0x0]  }
0x2: {  	s1 =	rddreg [dreg:$0x1]  }
0x3: {  	s0 =	rddreg [dreg:$0x2];
	s2 =	simm.s32 $0x0;
	s3 =	srdreg.scid  }
0x4: {  	s15 =	simm.s32 $0x0;
	[smem:$0x7FF] =	sst s2;
	s5 =	sand.u32 $0x1, s3  }
0x5: {  	s6 =	sadd.s32 $0xC600, s4;
	s3 =	stileid.u32;
	s8 =	sadd.s32 $0x2200, s4  }
0x6: {  	s11 =	sadd.s32 $0x16A00, s4;
	s12 =	sadd.s32 $0x17000, s4;
	_ =	strace $0x80000047  }
0x7: {  	s7 =	ssub.s32 $0x2, s5;
	s10 =	smul.u32 $0x280, s3;
	p0 =	seq.s32 s5, $0x0  }
0x8: {  	s31 =	smul.u32 $0xA00, s3;
	s13 =	sshll.u32 s3, $0x6;
	s9 =	sshrl.u32 s7, $0x1  }
0x9: {  	s8 =	smov.u32 @p0 s6;
	s12 =	smov.u32 @p0 s11;
	s11 =	simm.s32 $0x5000  }
0xa: {  	s13 =	sor.u32 $0x1C02, s13;
	s7 =	ssub.s32 s7, s9;
	s4 =	sadd.s32 s10, s1  }
0xb: {  	s10 =	sshrl.u32 s10, $0x3;
	s6 =	sadd.s32 s8, s31;
	s8 =	simm.s32 $0x5080  }
0xc: {  	s9 =	simm.s32 $0x2;
	s5 =	smax.u32 s7, $0x1;
	s7 =	sadd.s32 s12, s10  }
0xd: {  	v0 =	vimm.f32 $0.0e+00;
	v1 =	vimm.f32 $1.000000000e+00;
	s10 =	simm.s32 $0x80;
	s12 =	simm.s32 $0x1;
	s14 =	sshrl.u32 s4, $0x3  }
.LBB2_1:
0xe: {  	[tilespmem:$0x5080] =	vst v0  }
0xf: {  	[tilespmem:$0x5090] =	vst v0  }
0x10: {  	[tilespmem:$0x50A0] =	vst v0  }
0x11: {  	[tilespmem:$0x50B0] =	vst v0  }
0x12: {  	[tilespmem:$0x50C0] =	vst v0  }
0x13: {  	[tilespmem:$0x50D0] =	vst v0  }
0x14: {  	[tilespmem:$0x50E0] =	vst v0  }
0x15: {  	[tilespmem:$0x50F0] =	vst v0  }
0x16: {  	[tilespmem:$0x5100] =	vst v0  }
0x17: {  	[tilespmem:$0x5110] =	vst v0  }
0x18: {  	[tilespmem:$0x5120] =	vst v0  }
0x19: {  	[tilespmem:$0x5130] =	vst v0  }
0x1a: {  	[tilespmem:$0x5140] =	vst v0  }
0x1b: {  	[tilespmem:$0x5150] =	vst v0  }
0x1c: {  	[tilespmem:$0x5160] =	vst v0  }
0x1d: {  	[tilespmem:$0x5170] =	vst v0  }
0x1e: {  	[tilespmem:$0x5180] =	vst v0  }
0x1f: {  	[tilespmem:$0x5190] =	vst v0  }
0x20: {  	[tilespmem:$0x51A0] =	vst v0  }
0x21: {  	[tilespmem:$0x51B0] =	vst v0  }
0x22: {  	[tilespmem:$0x51C0] =	vst v0  }
0x23: {  	[tilespmem:$0x51D0] =	vst v0  }
0x24: {  	[tilespmem:$0x51E0] =	vst v0  }
0x25: {  	[tilespmem:$0x51F0] =	vst v0  }
0x26: {  	[tilespmem:$0x5200] =	vst v0  }
0x27: {  	[tilespmem:$0x5210] =	vst v0  }
0x28: {  	[tilespmem:$0x5220] =	vst v0  }
0x29: {  	[tilespmem:$0x5230] =	vst v0  }
0x2a: {  	[tilespmem:$0x5240] =	vst v0  }
0x2b: {  	[tilespmem:$0x5250] =	vst v0  }
0x2c: {  	[tilespmem:$0x5260] =	vst v0  }
0x2d: {  	[tilespmem:$0x5270] =	vst v0  }
0x2e: {  	[tilespmem:$0x5280] =	vst v0  }
0x2f: {  	[tilespmem:$0x5290] =	vst v0  }
0x30: {  	[tilespmem:$0x52A0] =	vst v0  }
0x31: {  	[tilespmem:$0x52B0] =	vst v0  }
0x32: {  	[tilespmem:$0x52C0] =	vst v0  }
0x33: {  	[tilespmem:$0x52D0] =	vst v0  }
0x34: {  	[tilespmem:$0x52E0] =	vst v0  }
0x35: {  	[tilespmem:$0x52F0] =	vst v0  }
0x36: {  	[tilespmem:$0x5000] =	vst v1  }
0x37: {  	[tilespmem:$0x5010] =	vst v1  }
0x38: {  	[tilespmem:$0x5020] =	vst v1  }
0x39: {  	[tilespmem:$0x5030] =	vst v1  }
0x3a: {  	[tilespmem:$0x5040] =	vst v1  }
0x3b: {  	[tilespmem:$0x5050] =	vst v1  }
0x3c: {  	[tilespmem:$0x5060] =	vst v1  }
0x3d: {  	[tilespmem:$0x5070] =	vst v1  }
0x3e: {  	[spmem:s4] =	stream.linear.scatter [tilespmem:s8], [sflag:$0x2], $0x280, $0x38;
	[tilespmem:$0x5580] =	vst v63  }
0x3f: {  	_ =	swait.ge [sflag:s9], $0x280  }
0x40: {  	[sflag:s9] =	ssyncset.done $0x0  }
0x41: {  	[sflag:s9] =	ssyncadd.s32 $0xFFFFFD80  }
0x42: {  	[tilespmem:s2], [sflag:$0x2] =	stream.linear.gather [hbm4b:s6+s2], $0x5000, $0x38;
	[tilespmem:$0x5580] =	vst v63  }
0x43: {  	_ =	swait.ge [sflag:s9], $0x5000  }
0x44: {  	[sflag:s9] =	ssyncset.done $0x0  }
0x45: {  	[sflag:s9] =	ssyncadd.s32 $0xFFFFB000  }
0x46: {  	s16 =	simm.s32 $0x0;
	[bflag:$0x0] =	sbarrier.arrive $0xFFFF  }
.LBB2_2:
0x47: {  	p0 =	sne.s32 s16, $0x13E00  }
.Ltmp0:
0x48: {  	_ = 	snop;
	(pc) =	sbr.rel @p0 .LBB2_2-.Ltmp0, $3  }
0x49: {  	_ =	sdelay $0x1  }
0x4a: {  	s17 =	sshra.s32 s16, $0x2;
	s16 =	sadd.s32 $0x200, s16  }
0x4b: {  	[spmem:s1] =	stream.indirect.scatter.add.f32 [tilespmem:s11], [sflag:$0x1], $0x1, s17, s10, $0xb8;
	[tilespmem:$0x5580] =	vst v63  }
0x4c: {  	_ =	swait.ge [sflag:s12], $0x80  }
0x4d: {  	s16 =	simm.s32 $0x9F;
	[sflag:s12] =	ssyncset.done $0x0  }
.LBB2_4:
0x4e: {  	p0 =	sne.s32 s16, $0x1;
	s16 =	sadd.s32 $0xFFFFFFFF, s16;
	[sflag:s12] =	ssyncadd.s32 $0xFFFFFF80  }
.Ltmp1:
0x4f: {  	(pc) =	sbr.rel @p0 .LBB2_4-.Ltmp1, $3  }
0x50: {  	_ =	sdelay $0x1  }
0x51: {  	_ =	swait.ge [sflag:s12], $0x80  }
0x52: {  	[sflag:s12] =	ssyncset.done $0x0  }
0x53: {  	s15 =	sadd.s32 $0x1, s15  }
0x54: {  	[sflag:s12] =	ssyncadd.s32 $0xFFFFFF80;
	p0 =	sne.s32 s15, s5  }
.Ltmp2:
0x55: {  	[bflag:$0x0] =	sbarrier.arrive $0xFFFF;
	(pc) =	sbr.rel @p0 .LBB2_1-.Ltmp2, $4  }
0x56: {  	[hbm:s7], [sflag:s13] =	dma.local [spmem:s14], $0x50  }
0x57: {  	_ =	swait.ge [sflag:s9], $0x50  }
0x58: {  	[sflag:s9] =	ssyncset.done $0x0  }
0x59: {  	[sflag:s9] =	ssyncadd.s32 $0xFFFFFFB0  }
0x5a: {  	_ =	sfence.sel $0x180000  }
0x5b: {  	[bflag:$0x0] =	sbarrier.arrive $0xFFFF  }
0x5c: {  	p0 =	sne.s32 s3, $0x0;
	_ =	strace $0x90000047  }
0x5d: {  	s0 =	sadd.s32 @!p0 $0x100000, s0;
	[bflag:$0x2] =	sbarrier.arrive $0xFFFF  }
0x5e: {  	[sflag:s0] =	ssyncadd.tile.s32 @!p0 $0x1;
	_ =	shalt  }
.Lfunc_end2:
_tile_overlayer_lowered:
.L_overlay_start_2:
0x5f: {  	(tag) =	ssettag $0x2  }
0x60: {  	s0 =	rddreg [dreg:$0x0];
	s2 =	stileid.u32  }
0x61: {  	s1 =	rddreg [dreg:$0x1];
	p0 =	sne.s32 s2, $0x0  }
0x62: {  	s3 =	rddreg [dreg:$0x2];
	[bflag:$0x3] =	sbarrier.arrive $0xFFFF;
	s2 =	simm.s32 @!p0 $0x1C02  }
0x63: {  	[timem:s3], [sflag:s2] =	dma.local @!p0 [hbm:s0], s1  }
0x64: {  	s0 =	simm.s32 @!p0 $0x2  }
0x65: {  	_ =	swait.ge @!p0 [sflag:s0], s1  }
0x66: {  	s1 =	ssub.s32 @!p0 $0x0, s1;
	[sflag:s0] =	ssyncset.done @!p0 $0x0  }
0x67: {  	[sflag:s0] =	ssyncadd.s32 @!p0 s1  }
0x68: {  	[bflag:$0x3] =	sbarrier.arrive $0xFFFF  }
0x69: {  	_ =	shalt  }

</sc_bundles>
